<compile_context>
chip_gen: v7x
topology: tpu7x:2x2x1
jax: 0.10.2.dev20260603
libtpu: 0.0.44.dev20260713+nightly
codegen_flags: <defaults>
</compile_context>

<pallas_src>
import jax
import jax.numpy as jnp
from jax import lax
from jax.experimental import pallas as pl
from jax.experimental.pallas import tpu as pltpu
from jax.experimental.pallas import tpu_sc as plsc

f32 = jnp.float32
i32 = jnp.int32

N = 10000
E = 160000
DIN = 256
DHID = 256
DOUT = 64
NG = 128
NCLS = 10

NC = 2
NS = 16
K = 128

C1 = 80
EP = NS * C1 * K
CPF = C1 + 2
CD = 40
EPD = NC * NS * CD * K

ACC_ROWS = 10112
ZR = ACC_ROWS // NS

_mesh = plsc.VectorSubcoreMesh(core_axis_name="c", subcore_axis_name="s",
                               num_cores=NC, num_subcores=NS)


def _sc_degree(col_idx, ones_rows, zeros_rows):

    def body(coli, ones_hbm, zeros_hbm, out, colv, onesb, acc):
        c = lax.axis_index("c")
        s = lax.axis_index("s")
        pltpu.sync_copy(ones_hbm, onesb)
        pltpu.sync_copy(coli.at[c].at[s], colv)
        pltpu.sync_copy(zeros_hbm, acc.at[pl.ds(s * ZR, ZR)])
        plsc.subcore_barrier()

        def chunk(j, carry):
            pltpu.sync_copy(onesb, acc.at[colv.at[j]], add=True)
            return carry

        lax.fori_loop(0, CD, chunk, 0)
        plsc.subcore_barrier()
        pltpu.sync_copy(acc.at[pl.ds(s * ZR, ZR)],
                        out.at[pl.ds(c * ACC_ROWS + s * ZR, ZR)])

    return pl.kernel(
        body,
        out_type=jax.ShapeDtypeStruct((NC * ACC_ROWS, 16), f32),
        mesh=_mesh,
        scratch_types=[
            pltpu.VMEM((CD, K), i32),
            pltpu.VMEM((K, 16), f32),
            pltpu.VMEM_SHARED((ACC_ROWS, 16), f32),
        ],
        compiler_params=pltpu.CompilerParams(use_tc_tiling_on_sc=False),
    )(col_idx, ones_rows, zeros_rows)


def _make_edge_pass(dh):

    def body(hs, rowi, coli, zeros_hbm, out,
             rowv, colv, buf0, buf1, acc, sem0, sem1):
        c = lax.axis_index("c")
        s = lax.axis_index("s")
        pltpu.sync_copy(rowi.at[c].at[s], rowv)
        pltpu.sync_copy(coli.at[s], colv)
        pltpu.sync_copy(zeros_hbm, acc.at[pl.ds(s * ZR, ZR)])
        plsc.subcore_barrier()

        def outer(jj, carry):
            j = jj * 2
            d0 = pltpu.async_copy(hs.at[rowv.at[j]], buf0, sem0)
            d1 = pltpu.async_copy(hs.at[rowv.at[j + 1]], buf1, sem1)
            d0.wait()
            pltpu.sync_copy(buf0, acc.at[colv.at[j]], add=True)
            d1.wait()
            pltpu.sync_copy(buf1, acc.at[colv.at[j + 1]], add=True)
            return carry

        lax.fori_loop(0, C1 // 2, outer, 0)
        plsc.subcore_barrier()
        pltpu.sync_copy(acc.at[pl.ds(s * ZR, ZR)],
                        out.at[pl.ds(c * ACC_ROWS + s * ZR, ZR)])

    return pl.kernel(
        body,
        out_type=jax.ShapeDtypeStruct((NC * ACC_ROWS, dh), f32),
        mesh=_mesh,
        scratch_types=[
            pltpu.VMEM((CPF, K), i32),
            pltpu.VMEM((C1, K), i32),
            pltpu.VMEM((K, dh), f32),
            pltpu.VMEM((K, dh), f32),
            pltpu.VMEM_SHARED((ACC_ROWS, dh), f32),
            pltpu.SemaphoreType.DMA,
            pltpu.SemaphoreType.DMA,
        ],
        compiler_params=pltpu.CompilerParams(use_tc_tiling_on_sc=False),
    )


RB = 400
NRB = N // RB


def _tc_a_body(x_ref, wc_ref, b1_ref, degp_ref, hs_ref, xv_ref, dis_ref):
    deg = degp_ref[0, :, 0:1] + degp_ref[1, :, 0:1]
    dis = jnp.where(deg > 0, lax.rsqrt(deg), 0.0)
    y = jnp.dot(x_ref[...], wc_ref[...], preferred_element_type=f32)
    hs = y[:, :DHID] * dis
    for q in range(4):
        hs_ref[q] = hs[:, q * (DHID // 4):(q + 1) * (DHID // 4)]
    xv_ref[...] = y[:, DHID:] + b1_ref[...]
    dis_ref[...] = dis


def _tc_b_body(agga_ref, aggb_ref, xv_ref, dis_ref, w2c_ref, b2_ref,
               hs2_ref, xv2_ref):
    dis = dis_ref[...]
    agg = jnp.concatenate([agga_ref[0], agga_ref[1],
                           aggb_ref[0], aggb_ref[1]], axis=1)
    out1 = jnp.maximum(agg * dis + xv_ref[...], 0.0)
    y2 = jnp.dot(out1, w2c_ref[...], preferred_element_type=f32)
    hs2 = y2[:, :DOUT] * dis
    hs2_ref[0] = hs2[:, : DOUT // 2]
    hs2_ref[1] = hs2[:, DOUT // 2:]
    xv2_ref[...] = y2[:, DOUT:] + b2_ref[...]


def _tc_c_body(agg2_ref, xv2_ref, dis_ref, batch_ref, fcw_ref, fcb_ref,
               out_ref):
    agg2 = jnp.concatenate([agg2_ref[0], agg2_ref[1]], axis=1)
    out2 = jnp.maximum(agg2 * dis_ref[...] + xv2_ref[...], 0.0)
    gids = lax.broadcasted_iota(i32, (NG, N), 0)
    mask = (gids == batch_ref[...]).astype(f32)
    seg = jnp.dot(mask, out2, preferred_element_type=f32)
    cnt = jnp.sum(mask, axis=1, keepdims=True)
    pooled = seg / jnp.maximum(cnt, 1.0)
    out_ref[...] = jnp.dot(pooled, fcw_ref[...],
                           preferred_element_type=f32) + fcb_ref[...]


def _tc_a(x, wc, b1, degp):
    return pl.pallas_call(
        _tc_a_body,
        grid=(NRB,),
        in_specs=[
            pl.BlockSpec((RB, DIN), lambda i: (i, 0)),
            pl.BlockSpec((DIN, DHID + DHID), lambda i: (0, 0)),
            pl.BlockSpec((1, DHID), lambda i: (0, 0)),
            pl.BlockSpec((NC, RB, 16), lambda i: (0, i, 0)),
        ],
        out_specs=[
            pl.BlockSpec((4, RB, DHID // 4), lambda i: (0, i, 0)),
            pl.BlockSpec((RB, DHID), lambda i: (i, 0)),
            pl.BlockSpec((RB, 1), lambda i: (i, 0)),
        ],
        out_shape=[
            jax.ShapeDtypeStruct((4, N, DHID // 4), f32),
            jax.ShapeDtypeStruct((N, DHID), f32),
            jax.ShapeDtypeStruct((N, 1), f32),
        ],
    )(x, wc, b1, degp)


def _tc_b(agg1a, agg1b, xv1, dis, w2c, b2):
    return pl.pallas_call(
        _tc_b_body,
        grid=(NRB,),
        in_specs=[
            pl.BlockSpec((NC, RB, DHID // 4), lambda i: (0, i, 0)),
            pl.BlockSpec((NC, RB, DHID // 4), lambda i: (0, i, 0)),
            pl.BlockSpec((RB, DHID), lambda i: (i, 0)),
            pl.BlockSpec((RB, 1), lambda i: (i, 0)),
            pl.BlockSpec((DHID, DOUT + DOUT), lambda i: (0, 0)),
            pl.BlockSpec((1, DOUT), lambda i: (0, 0)),
        ],
        out_specs=[
            pl.BlockSpec((NC, RB, DOUT // 2), lambda i: (0, i, 0)),
            pl.BlockSpec((RB, DOUT), lambda i: (i, 0)),
        ],
        out_shape=[
            jax.ShapeDtypeStruct((NC, N, DOUT // 2), f32),
            jax.ShapeDtypeStruct((N, DOUT), f32),
        ],
    )(agg1a, agg1b, xv1, dis, w2c, b2)


def _tc_c(agg2, xv2, dis, batch2d, fcw, fcb):
    return pl.pallas_call(
        _tc_c_body,
        grid=(1,),
        in_specs=[
            pl.BlockSpec((NC, N, DOUT // 2), lambda i: (0, 0, 0)),
            pl.BlockSpec((N, DOUT), lambda i: (0, 0)),
            pl.BlockSpec((N, 1), lambda i: (0, 0)),
            pl.BlockSpec((1, N), lambda i: (0, 0)),
            pl.BlockSpec((DOUT, NCLS), lambda i: (0, 0)),
            pl.BlockSpec((1, NCLS), lambda i: (0, 0)),
        ],
        out_specs=pl.BlockSpec((NG, NCLS), lambda i: (0, 0)),
        out_shape=jax.ShapeDtypeStruct((NG, NCLS), f32),
    )(agg2, xv2, dis, batch2d, fcw, fcb)


def kernel(x, edge_index, batch, W1, V1, b1, W2, V2, b2, fc_w, fc_b):
    row = edge_index[0].astype(i32)
    col = edge_index[1].astype(i32)

    col_d = jnp.full((EPD,), N, dtype=i32).at[:E].set(col)
    col_d = col_d.reshape(NC, NS, CD, K)
    row_p = jnp.zeros((EP,), dtype=i32).at[:E].set(row)
    col_p = jnp.full((EP,), N, dtype=i32).at[:E].set(col)
    row_pc = jnp.stack([row_p, row_p + N]).reshape(NC, NS, C1, K)
    row_pc = jnp.pad(row_pc, ((0, 0), (0, 0), (0, CPF - C1), (0, 0)))
    row_pc2 = row_pc + 2 * N
    col_p = col_p.reshape(NS, C1, K)

    ones16 = jnp.zeros((K, 16), f32).at[:, 0].set(1.0)
    zeros16 = jnp.zeros((ZR, 16), f32)
    zeros64 = jnp.zeros((ZR, DHID // 4), f32)
    zeros32 = jnp.zeros((ZR, DOUT // 2), f32)

    wc1 = jnp.concatenate([W1, V1], axis=1)
    wc2 = jnp.concatenate([W2, V2], axis=1)
    b1r = b1.reshape(1, DHID)
    b2r = b2.reshape(1, DOUT)
    fcbr = fc_b.reshape(1, NCLS)
    batch2d = batch.astype(i32).reshape(1, N)

    degp = _sc_degree(col_d, ones16, zeros16).reshape(NC, ACC_ROWS, 16)
    hs1, xv1, dis = _tc_a(x, wc1, b1r, degp)
    ep64 = _make_edge_pass(DHID // 4)
    hs1f = hs1.reshape(4 * N, DHID // 4)
    agg1a = ep64(hs1f, row_pc, col_p, zeros64).reshape(
        NC, ACC_ROWS, DHID // 4)
    agg1b = ep64(hs1f, row_pc2, col_p, zeros64).reshape(
        NC, ACC_ROWS, DHID // 4)
    hs2, xv2 = _tc_b(agg1a, agg1b, xv1, dis, wc2, b2r)
    agg2 = _make_edge_pass(DOUT // 2)(
        hs2.reshape(NC * N, DOUT // 2), row_pc, col_p, zeros32
    ).reshape(NC, ACC_ROWS, DOUT // 2)
    return _tc_c(agg2, xv2, dis, batch2d, fc_w, fcbr)

# --- scband reference (transcript-rebuilt; emitter-appended) ---
"""Pipeline reference for scband-armanet-8564164788981 (READ-ONLY COPY).

The authoritative reference and input builder live on the scoring server;
editing this copy changes nothing except your own understanding.
"""

import jax, jax.numpy as jnp
import numpy as np

N_NODES = 10000
N_EDGES = 160000
D_IN = 256
D_HID = 256
D_OUT2 = 64
N_CLASSES = 10
N_GRAPHS = 128


def setup_inputs(seed: int = 0) -> dict:
    key = jax.random.key(seed)
    ks = jax.random.split(key, 12)
    x = jax.random.normal(ks[0], (N_NODES, D_IN), dtype=jnp.float32)
    edge_index = jax.random.randint(ks[1], (2, N_EDGES), 0, N_NODES, dtype=jnp.int64)
    batch = jnp.sort(jax.random.randint(ks[2], (N_NODES,), 0, N_GRAPHS, dtype=jnp.int64))
    # ARMAConv1 (num_stacks=1, num_layers=1): init_weight W1, root_weight V1, bias b1
    W1 = jax.random.normal(ks[3], (D_IN, D_HID), dtype=jnp.float32) * (1.0 / np.sqrt(D_IN))
    V1 = jax.random.normal(ks[4], (D_IN, D_HID), dtype=jnp.float32) * (1.0 / np.sqrt(D_IN))
    b1 = jnp.zeros((D_HID,), dtype=jnp.float32)
    # ARMAConv2
    W2 = jax.random.normal(ks[5], (D_HID, D_OUT2), dtype=jnp.float32) * (1.0 / np.sqrt(D_HID))
    V2 = jax.random.normal(ks[6], (D_HID, D_OUT2), dtype=jnp.float32) * (1.0 / np.sqrt(D_HID))
    b2 = jnp.zeros((D_OUT2,), dtype=jnp.float32)
    # fc1
    fc_w = jax.random.normal(ks[7], (D_OUT2, N_CLASSES), dtype=jnp.float32) * (1.0 / np.sqrt(D_OUT2))
    fc_b = jnp.zeros((N_CLASSES,), dtype=jnp.float32)
    return {"x": x, "edge_index": edge_index, "batch": batch,
            "W1": W1, "V1": V1, "b1": b1,
            "W2": W2, "V2": V2, "b2": b2,
            "fc_w": fc_w, "fc_b": fc_b}


def _gcn_norm(edge_index, num_nodes):
    # ARMAConv uses gcn_norm with add_self_loops=False
    row, col = edge_index[0], edge_index[1]
    ew = jnp.ones((row.shape[0],), dtype=jnp.float32)
    deg = jnp.zeros((num_nodes,), dtype=jnp.float32).at[col].add(ew)
    dis = jnp.where(deg > 0, 1.0 / jnp.sqrt(deg), 0.0)
    return dis[row] * ew * dis[col]


def _arma_conv(x, edge_index, norm, W, V, b):
    # single stack (K=1), single layer (T=1):
    # out = ReLU( propagate(L_hat, x @ W) + x @ V + b )
    h = x @ W
    row, col = edge_index[0], edge_index[1]
    msg = h[row] * norm[:, None]          # gather + scale
    agg = jnp.zeros_like(h).at[col].add(msg)  # scatter-add to targets
    return jax.nn.relu(agg + x @ V + b)


def reference(x, edge_index, batch, W1, V1, b1, W2, V2, b2, fc_w, fc_b):
    norm = _gcn_norm(edge_index, N_NODES)
    h = jax.nn.relu(_arma_conv(x, edge_index, norm, W1, V1, b1))
    h = jax.nn.relu(_arma_conv(h, edge_index, norm, W2, V2, b2))
    # global_mean_pool over batch ids
    s = jax.ops.segment_sum(h, batch, num_segments=N_GRAPHS)
    cnt = jax.ops.segment_sum(jnp.ones((h.shape[0],), dtype=jnp.float32), batch, num_segments=N_GRAPHS)
    pooled = s / jnp.maximum(cnt, 1.0)[:, None]
    # F.dropout with training=False is identity (eval mode)
    return pooled @ fc_w + fc_b

if __name__ == "__main__":
    import jax
    _d = setup_inputs()
    print(jax.jit(kernel)(*tuple(_d.values())))

</pallas_src>

<mosaic_0001>
#map = affine_map<(d0, d1) -> (0, 0)>
#map1 = affine_map<(d0, d1) -> (0, 0, 0, 0)>
#map2 = affine_map<(d0, d1) -> (0, 0, 0)>
module attributes {stable_mosaic.version = 14 : i64} {
  func.func @body(%arg0: i32, %arg1: i32, %arg2: memref<40000x64xf32, #tpu.memory_space<hbm>>, %arg3: memref<2x16x82x128xi32, #tpu.memory_space<hbm>>, %arg4: memref<16x80x128xi32, #tpu.memory_space<hbm>>, %arg5: memref<632x64xf32, #tpu.memory_space<hbm>>, %arg6: memref<20224x64xf32, #tpu.memory_space<hbm>>, %arg7: memref<82x128xi32, #tpu.memory_space<vmem>>, %arg8: memref<80x128xi32, #tpu.memory_space<vmem>>, %arg9: memref<128x64xf32, #tpu.memory_space<vmem>>, %arg10: memref<128x64xf32, #tpu.memory_space<vmem>>, %arg11: memref<10112x64xf32, #tpu.memory_space<vmem_shared>>, %arg12: memref<!tpu.dma_semaphore, #tpu.memory_space<semaphore_mem>>, %arg13: memref<!tpu.dma_semaphore, #tpu.memory_space<semaphore_mem>>) attributes {dimension_semantics = [#tpu.dimension_semantics<core_parallel>, #tpu.dimension_semantics<subcore_parallel>], iteration_bounds = array<i64: 2, 16>, scalar_prefetch = 0 : i64, scratch_operands = 7 : i64, tpu.core_type = #tpu.core_type<sc_vector_subcore>, window_params = [{transform_indices = #map}, {transform_indices = #map1}, {transform_indices = #map2}, {transform_indices = #map}, {transform_indices = #map}]} {
    "tpu.region"() ({
      %run_scoped3A = tpu.sem_alloc : memref<!tpu.dma_semaphore, #tpu.memory_space<semaphore_mem>>
      %dma_start3A = arith.constant 0 : i32
      %dma_start3A_13 = arith.constant 0 : i32
      %dma_start3A_14 = arith.constant 0 : i32
      %dma_start3A_15 = tpu.memref_slice %arg3[%arg0, %dma_start3A, %dma_start3A_13, %dma_start3A_14] : memref<2x16x82x128xi32, #tpu.memory_space<hbm>> -> memref<1x16x82x128xi32, #tpu.memory_space<hbm>>
      %dma_start3A_16 = tpu.memref_squeeze %dma_start3A_15 : memref<1x16x82x128xi32, #tpu.memory_space<hbm>> -> memref<16x82x128xi32, #tpu.memory_space<hbm>>
      %dma_start3A_17 = arith.constant 0 : i32
      %dma_start3A_18 = arith.constant 0 : i32
      %dma_start3A_19 = tpu.memref_slice %dma_start3A_16[%arg1, %dma_start3A_17, %dma_start3A_18] : memref<16x82x128xi32, #tpu.memory_space<hbm>> -> memref<1x82x128xi32, #tpu.memory_space<hbm>>
      %dma_start3A_20 = tpu.memref_squeeze %dma_start3A_19 : memref<1x82x128xi32, #tpu.memory_space<hbm>> -> memref<82x128xi32, #tpu.memory_space<hbm>>
      %dma_start3A_21 = arith.constant 0 : i32
      %dma_start3A_22 = arith.constant 0 : i32
      %dma_start3A_23 = arith.constant 0 : i32
      %dma_start3A_24 = tpu.memref_slice %arg3[%arg0, %dma_start3A_21, %dma_start3A_22, %dma_start3A_23] : memref<2x16x82x128xi32, #tpu.memory_space<hbm>> -> memref<1x16x82x128xi32, #tpu.memory_space<hbm>>
      %dma_start3A_25 = tpu.memref_squeeze %dma_start3A_24 : memref<1x16x82x128xi32, #tpu.memory_space<hbm>> -> memref<16x82x128xi32, #tpu.memory_space<hbm>>
      %dma_start3A_26 = arith.constant 0 : i32
      %dma_start3A_27 = arith.constant 0 : i32
      %dma_start3A_28 = tpu.memref_slice %dma_start3A_25[%arg1, %dma_start3A_26, %dma_start3A_27] : memref<16x82x128xi32, #tpu.memory_space<hbm>> -> memref<1x82x128xi32, #tpu.memory_space<hbm>>
      %dma_start3A_29 = tpu.memref_squeeze %dma_start3A_28 : memref<1x82x128xi32, #tpu.memory_space<hbm>> -> memref<82x128xi32, #tpu.memory_space<hbm>>
      tpu.enqueue_dma source(%dma_start3A_29 : memref<82x128xi32, #tpu.memory_space<hbm>>) target(%arg7 : memref<82x128xi32, #tpu.memory_space<vmem>>) target_semaphore(%run_scoped3A : memref<!tpu.dma_semaphore, #tpu.memory_space<semaphore_mem>>)
      %dma_wait3A = arith.constant 0 : i32
      %dma_wait3A_30 = arith.constant 0 : i32
      %dma_wait3A_31 = arith.constant 0 : i32
      %dma_wait3A_32 = tpu.memref_slice %arg3[%arg0, %dma_wait3A, %dma_wait3A_30, %dma_wait3A_31] : memref<2x16x82x128xi32, #tpu.memory_space<hbm>> -> memref<1x16x82x128xi32, #tpu.memory_space<hbm>>
      %dma_wait3A_33 = tpu.memref_squeeze %dma_wait3A_32 : memref<1x16x82x128xi32, #tpu.memory_space<hbm>> -> memref<16x82x128xi32, #tpu.memory_space<hbm>>
      %dma_wait3A_34 = arith.constant 0 : i32
      %dma_wait3A_35 = arith.constant 0 : i32
      %dma_wait3A_36 = tpu.memref_slice %dma_wait3A_33[%arg1, %dma_wait3A_34, %dma_wait3A_35] : memref<16x82x128xi32, #tpu.memory_space<hbm>> -> memref<1x82x128xi32, #tpu.memory_space<hbm>>
      %dma_wait3A_37 = tpu.memref_squeeze %dma_wait3A_36 : memref<1x82x128xi32, #tpu.memory_space<hbm>> -> memref<82x128xi32, #tpu.memory_space<hbm>>
      %dma_wait3A_38 = arith.constant 0 : i32
      %dma_wait3A_39 = arith.constant 0 : i32
      %dma_wait3A_40 = arith.constant 0 : i32
      %dma_wait3A_41 = tpu.memref_slice %arg3[%arg0, %dma_wait3A_38, %dma_wait3A_39, %dma_wait3A_40] : memref<2x16x82x128xi32, #tpu.memory_space<hbm>> -> memref<1x16x82x128xi32, #tpu.memory_space<hbm>>
      %dma_wait3A_42 = tpu.memref_squeeze %dma_wait3A_41 : memref<1x16x82x128xi32, #tpu.memory_space<hbm>> -> memref<16x82x128xi32, #tpu.memory_space<hbm>>
      %dma_wait3A_43 = arith.constant 0 : i32
      %dma_wait3A_44 = arith.constant 0 : i32
      %dma_wait3A_45 = tpu.memref_slice %dma_wait3A_42[%arg1, %dma_wait3A_43, %dma_wait3A_44] : memref<16x82x128xi32, #tpu.memory_space<hbm>> -> memref<1x82x128xi32, #tpu.memory_space<hbm>>
      %dma_wait3A_46 = tpu.memref_squeeze %dma_wait3A_45 : memref<1x82x128xi32, #tpu.memory_space<hbm>> -> memref<82x128xi32, #tpu.memory_space<hbm>>
      tpu.wait_dma2 semaphore(%run_scoped3A : memref<!tpu.dma_semaphore, #tpu.memory_space<semaphore_mem>>) src(%dma_wait3A_46 : memref<82x128xi32, #tpu.memory_space<hbm>>) dst(%arg7 : memref<82x128xi32, #tpu.memory_space<vmem>>)
      tpu.yield
    }) : () -> ()
    "tpu.region"() ({
      %run_scoped3A = tpu.sem_alloc : memref<!tpu.dma_semaphore, #tpu.memory_space<semaphore_mem>>
      %dma_start3A = arith.constant 0 : i32
      %dma_start3A_13 = arith.constant 0 : i32
      %dma_start3A_14 = tpu.memref_slice %arg4[%arg1, %dma_start3A, %dma_start3A_13] : memref<16x80x128xi32, #tpu.memory_space<hbm>> -> memref<1x80x128xi32, #tpu.memory_space<hbm>>
      %dma_start3A_15 = tpu.memref_squeeze %dma_start3A_14 : memref<1x80x128xi32, #tpu.memory_space<hbm>> -> memref<80x128xi32, #tpu.memory_space<hbm>>
      %dma_start3A_16 = arith.constant 0 : i32
      %dma_start3A_17 = arith.constant 0 : i32
      %dma_start3A_18 = tpu.memref_slice %arg4[%arg1, %dma_start3A_16, %dma_start3A_17] : memref<16x80x128xi32, #tpu.memory_space<hbm>> -> memref<1x80x128xi32, #tpu.memory_space<hbm>>
      %dma_start3A_19 = tpu.memref_squeeze %dma_start3A_18 : memref<1x80x128xi32, #tpu.memory_space<hbm>> -> memref<80x128xi32, #tpu.memory_space<hbm>>
      tpu.enqueue_dma source(%dma_start3A_19 : memref<80x128xi32, #tpu.memory_space<hbm>>) target(%arg8 : memref<80x128xi32, #tpu.memory_space<vmem>>) target_semaphore(%run_scoped3A : memref<!tpu.dma_semaphore, #tpu.memory_space<semaphore_mem>>)
      %dma_wait3A = arith.constant 0 : i32
      %dma_wait3A_20 = arith.constant 0 : i32
      %dma_wait3A_21 = tpu.memref_slice %arg4[%arg1, %dma_wait3A, %dma_wait3A_20] : memref<16x80x128xi32, #tpu.memory_space<hbm>> -> memref<1x80x128xi32, #tpu.memory_space<hbm>>
      %dma_wait3A_22 = tpu.memref_squeeze %dma_wait3A_21 : memref<1x80x128xi32, #tpu.memory_space<hbm>> -> memref<80x128xi32, #tpu.memory_space<hbm>>
      %dma_wait3A_23 = arith.constant 0 : i32
      %dma_wait3A_24 = arith.constant 0 : i32
      %dma_wait3A_25 = tpu.memref_slice %arg4[%arg1, %dma_wait3A_23, %dma_wait3A_24] : memref<16x80x128xi32, #tpu.memory_space<hbm>> -> memref<1x80x128xi32, #tpu.memory_space<hbm>>
      %dma_wait3A_26 = tpu.memref_squeeze %dma_wait3A_25 : memref<1x80x128xi32, #tpu.memory_space<hbm>> -> memref<80x128xi32, #tpu.memory_space<hbm>>
      tpu.wait_dma2 semaphore(%run_scoped3A : memref<!tpu.dma_semaphore, #tpu.memory_space<semaphore_mem>>) src(%dma_wait3A_26 : memref<80x128xi32, #tpu.memory_space<hbm>>) dst(%arg8 : memref<80x128xi32, #tpu.memory_space<vmem>>)
      tpu.yield
    }) : () -> ()
    %mul3A = arith.constant 632 : i32
    %mul3A_0 = arith.muli %arg1, %mul3A : i32
    "tpu.region"() ({
      %run_scoped3A = tpu.sem_alloc : memref<!tpu.dma_semaphore, #tpu.memory_space<semaphore_mem>>
      %dma_start3A = arith.constant 0 : i32
      %dma_start3A_13 = tpu.memref_slice %arg11[%mul3A_0, %dma_start3A] : memref<10112x64xf32, #tpu.memory_space<vmem_shared>> -> memref<632x64xf32, #tpu.memory_space<vmem_shared>>
      tpu.enqueue_dma source(%arg5 : memref<632x64xf32, #tpu.memory_space<hbm>>) target(%dma_start3A_13 : memref<632x64xf32, #tpu.memory_space<vmem_shared>>) target_semaphore(%run_scoped3A : memref<!tpu.dma_semaphore, #tpu.memory_space<semaphore_mem>>)
      %dma_wait3A = arith.constant 0 : i32
      %dma_wait3A_14 = tpu.memref_slice %arg11[%mul3A_0, %dma_wait3A] : memref<10112x64xf32, #tpu.memory_space<vmem_shared>> -> memref<632x64xf32, #tpu.memory_space<vmem_shared>>
      tpu.wait_dma2 semaphore(%run_scoped3A : memref<!tpu.dma_semaphore, #tpu.memory_space<semaphore_mem>>) src(%arg5 : memref<632x64xf32, #tpu.memory_space<hbm>>) dst(%dma_wait3A_14 : memref<632x64xf32, #tpu.memory_space<vmem_shared>>)
      tpu.yield
    }) : () -> ()
    %barrier3A = arith.constant 0 : index
    tpu.barrier barrier_id(%barrier3A)
    %scan3A = arith.constant 0 : i32
    %scan3A_1 = arith.constant 0 : i32
    %scan3A_2 = arith.constant 40 : i32
    %scan3A_3 = arith.addi %scan3A_1, %scan3A_2 : i32
    %scan3A_4 = arith.constant 1 : i32
    scf.for %scan3A_13 = %scan3A_1 to %scan3A_3 step %scan3A_4  : i32 {
      %mul3A_14 = arith.constant 2 : i32
      %mul3A_15 = arith.muli %scan3A_13, %mul3A_14 : i32
      %dma_start3A = arith.constant 0 : i32
      %dma_start3A_16 = tpu.memref_slice %arg7[%mul3A_15, %dma_start3A] : memref<82x128xi32, #tpu.memory_space<vmem>> -> memref<1x128xi32, #tpu.memory_space<vmem>>
      %dma_start3A_17 = tpu.memref_squeeze %dma_start3A_16 : memref<1x128xi32, #tpu.memory_space<vmem>> -> memref<128xi32, #tpu.memory_space<vmem>>
      %dma_start3A_18 = arith.constant 0 : i32
      %dma_start3A_19 = arith.constant 0 : i32
      %dma_start3A_20 = tpu.memref_slice %arg2[%dma_start3A_18, %dma_start3A_19] : memref<40000x64xf32, #tpu.memory_space<hbm>> -> memref<40000x64xf32, #tpu.memory_space<hbm>>
      tpu.enqueue_indirect_dma source(%dma_start3A_20 : memref<40000x64xf32, #tpu.memory_space<hbm>>) target(%arg9 : memref<128x64xf32, #tpu.memory_space<vmem>>) offsets(%dma_start3A_17 : memref<128xi32, #tpu.memory_space<vmem>>) semaphore(%arg12 : memref<!tpu.dma_semaphore, #tpu.memory_space<semaphore_mem>>)
      %add3A_21 = arith.constant 1 : i32
      %add3A_22 = arith.addi %mul3A_15, %add3A_21 : i32
      %dma_start3A_23 = arith.constant 0 : i32
      %dma_start3A_24 = tpu.memref_slice %arg7[%add3A_22, %dma_start3A_23] : memref<82x128xi32, #tpu.memory_space<vmem>> -> memref<1x128xi32, #tpu.memory_space<vmem>>
      %dma_start3A_25 = tpu.memref_squeeze %dma_start3A_24 : memref<1x128xi32, #tpu.memory_space<vmem>> -> memref<128xi32, #tpu.memory_space<vmem>>
      %dma_start3A_26 = arith.constant 0 : i32
      %dma_start3A_27 = arith.constant 0 : i32
      %dma_start3A_28 = tpu.memref_slice %arg2[%dma_start3A_26, %dma_start3A_27] : memref<40000x64xf32, #tpu.memory_space<hbm>> -> memref<40000x64xf32, #tpu.memory_space<hbm>>
      tpu.enqueue_indirect_dma source(%dma_start3A_28 : memref<40000x64xf32, #tpu.memory_space<hbm>>) target(%arg10 : memref<128x64xf32, #tpu.memory_space<vmem>>) offsets(%dma_start3A_25 : memref<128xi32, #tpu.memory_space<vmem>>) semaphore(%arg13 : memref<!tpu.dma_semaphore, #tpu.memory_space<semaphore_mem>>)
      %dma_wait3A = arith.constant 0 : i32
      %dma_wait3A_29 = tpu.memref_slice %arg7[%mul3A_15, %dma_wait3A] : memref<82x128xi32, #tpu.memory_space<vmem>> -> memref<1x128xi32, #tpu.memory_space<vmem>>
      %dma_wait3A_30 = tpu.memref_squeeze %dma_wait3A_29 : memref<1x128xi32, #tpu.memory_space<vmem>> -> memref<128xi32, #tpu.memory_space<vmem>>
      %dma_wait3A_31 = arith.constant 0 : i32
      %dma_wait3A_32 = arith.constant 0 : i32
      %dma_wait3A_33 = tpu.memref_slice %arg2[%dma_wait3A_31, %dma_wait3A_32] : memref<40000x64xf32, #tpu.memory_space<hbm>> -> memref<40000x64xf32, #tpu.memory_space<hbm>>
      tpu.wait_indirect_dma semaphore(%arg12 : memref<!tpu.dma_semaphore, #tpu.memory_space<semaphore_mem>>) src(%dma_wait3A_33 : memref<40000x64xf32, #tpu.memory_space<hbm>>) dst(%arg9 : memref<128x64xf32, #tpu.memory_space<vmem>>)
      "tpu.region"() ({
        %run_scoped3A = tpu.sem_alloc : memref<!tpu.dma_semaphore, #tpu.memory_space<semaphore_mem>>
        %dma_start3A_42 = arith.constant 0 : i32
        %dma_start3A_43 = tpu.memref_slice %arg8[%mul3A_15, %dma_start3A_42] : memref<80x128xi32, #tpu.memory_space<vmem>> -> memref<1x128xi32, #tpu.memory_space<vmem>>
        %dma_start3A_44 = tpu.memref_squeeze %dma_start3A_43 : memref<1x128xi32, #tpu.memory_space<vmem>> -> memref<128xi32, #tpu.memory_space<vmem>>
        %dma_start3A_45 = arith.constant 0 : i32
        %dma_start3A_46 = arith.constant 0 : i32
        %dma_start3A_47 = tpu.memref_slice %arg11[%dma_start3A_45, %dma_start3A_46] : memref<10112x64xf32, #tpu.memory_space<vmem_shared>> -> memref<10112x64xf32, #tpu.memory_space<vmem_shared>>
        tpu.enqueue_indirect_dma source(%arg9 : memref<128x64xf32, #tpu.memory_space<vmem>>) target(%dma_start3A_47 : memref<10112x64xf32, #tpu.memory_space<vmem_shared>>) offsets(%dma_start3A_44 : memref<128xi32, #tpu.memory_space<vmem>>) semaphore(%run_scoped3A : memref<!tpu.dma_semaphore, #tpu.memory_space<semaphore_mem>>) {add = true}
        %dma_wait3A_48 = arith.constant 0 : i32
        %dma_wait3A_49 = tpu.memref_slice %arg8[%mul3A_15, %dma_wait3A_48] : memref<80x128xi32, #tpu.memory_space<vmem>> -> memref<1x128xi32, #tpu.memory_space<vmem>>
        %dma_wait3A_50 = tpu.memref_squeeze %dma_wait3A_49 : memref<1x128xi32, #tpu.memory_space<vmem>> -> memref<128xi32, #tpu.memory_space<vmem>>
        %dma_wait3A_51 = arith.constant 0 : i32
        %dma_wait3A_52 = arith.constant 0 : i32
        %dma_wait3A_53 = tpu.memref_slice %arg11[%dma_wait3A_51, %dma_wait3A_52] : memref<10112x64xf32, #tpu.memory_space<vmem_shared>> -> memref<10112x64xf32, #tpu.memory_space<vmem_shared>>
        tpu.wait_indirect_dma semaphore(%run_scoped3A : memref<!tpu.dma_semaphore, #tpu.memory_space<semaphore_mem>>) src(%arg9 : memref<128x64xf32, #tpu.memory_space<vmem>>) dst(%dma_wait3A_53 : memref<10112x64xf32, #tpu.memory_space<vmem_shared>>)
        tpu.yield
      }) : () -> ()
      %dma_wait3A_34 = arith.constant 0 : i32
      %dma_wait3A_35 = tpu.memref_slice %arg7[%add3A_22, %dma_wait3A_34] : memref<82x128xi32, #tpu.memory_space<vmem>> -> memref<1x128xi32, #tpu.memory_space<vmem>>
      %dma_wait3A_36 = tpu.memref_squeeze %dma_wait3A_35 : memref<1x128xi32, #tpu.memory_space<vmem>> -> memref<128xi32, #tpu.memory_space<vmem>>
      %dma_wait3A_37 = arith.constant 0 : i32
      %dma_wait3A_38 = arith.constant 0 : i32
      %dma_wait3A_39 = tpu.memref_slice %arg2[%dma_wait3A_37, %dma_wait3A_38] : memref<40000x64xf32, #tpu.memory_space<hbm>> -> memref<40000x64xf32, #tpu.memory_space<hbm>>
      tpu.wait_indirect_dma semaphore(%arg13 : memref<!tpu.dma_semaphore, #tpu.memory_space<semaphore_mem>>) src(%dma_wait3A_39 : memref<40000x64xf32, #tpu.memory_space<hbm>>) dst(%arg10 : memref<128x64xf32, #tpu.memory_space<vmem>>)
      %add3A_40 = arith.constant 1 : i32
      %add3A_41 = arith.addi %mul3A_15, %add3A_40 : i32
      "tpu.region"() ({
        %run_scoped3A = tpu.sem_alloc : memref<!tpu.dma_semaphore, #tpu.memory_space<semaphore_mem>>
        %dma_start3A_42 = arith.constant 0 : i32
        %dma_start3A_43 = tpu.memref_slice %arg8[%add3A_41, %dma_start3A_42] : memref<80x128xi32, #tpu.memory_space<vmem>> -> memref<1x128xi32, #tpu.memory_space<vmem>>
        %dma_start3A_44 = tpu.memref_squeeze %dma_start3A_43 : memref<1x128xi32, #tpu.memory_space<vmem>> -> memref<128xi32, #tpu.memory_space<vmem>>
        %dma_start3A_45 = arith.constant 0 : i32
        %dma_start3A_46 = arith.constant 0 : i32
        %dma_start3A_47 = tpu.memref_slice %arg11[%dma_start3A_45, %dma_start3A_46] : memref<10112x64xf32, #tpu.memory_space<vmem_shared>> -> memref<10112x64xf32, #tpu.memory_space<vmem_shared>>
        tpu.enqueue_indirect_dma source(%arg10 : memref<128x64xf32, #tpu.memory_space<vmem>>) target(%dma_start3A_47 : memref<10112x64xf32, #tpu.memory_space<vmem_shared>>) offsets(%dma_start3A_44 : memref<128xi32, #tpu.memory_space<vmem>>) semaphore(%run_scoped3A : memref<!tpu.dma_semaphore, #tpu.memory_space<semaphore_mem>>) {add = true}
        %dma_wait3A_48 = arith.constant 0 : i32
        %dma_wait3A_49 = tpu.memref_slice %arg8[%add3A_41, %dma_wait3A_48] : memref<80x128xi32, #tpu.memory_space<vmem>> -> memref<1x128xi32, #tpu.memory_space<vmem>>
        %dma_wait3A_50 = tpu.memref_squeeze %dma_wait3A_49 : memref<1x128xi32, #tpu.memory_space<vmem>> -> memref<128xi32, #tpu.memory_space<vmem>>
        %dma_wait3A_51 = arith.constant 0 : i32
        %dma_wait3A_52 = arith.constant 0 : i32
        %dma_wait3A_53 = tpu.memref_slice %arg11[%dma_wait3A_51, %dma_wait3A_52] : memref<10112x64xf32, #tpu.memory_space<vmem_shared>> -> memref<10112x64xf32, #tpu.memory_space<vmem_shared>>
        tpu.wait_indirect_dma semaphore(%run_scoped3A : memref<!tpu.dma_semaphore, #tpu.memory_space<semaphore_mem>>) src(%arg10 : memref<128x64xf32, #tpu.memory_space<vmem>>) dst(%dma_wait3A_53 : memref<10112x64xf32, #tpu.memory_space<vmem_shared>>)
        tpu.yield
      }) : () -> ()
    }
    %scan3A_5 = arith.constant 40 : i32
    %barrier3A_6 = arith.constant 0 : index
    tpu.barrier barrier_id(%barrier3A_6)
    %mul3A_7 = arith.constant 632 : i32
    %mul3A_8 = arith.muli %arg1, %mul3A_7 : i32
    %mul3A_9 = arith.constant 10112 : i32
    %mul3A_10 = arith.muli %arg0, %mul3A_9 : i32
    %mul3A_11 = arith.constant 632 : i32
    %mul3A_12 = arith.muli %arg1, %mul3A_11 : i32
    %add3A = arith.addi %mul3A_10, %mul3A_12 : i32
    "tpu.region"() ({
      %run_scoped3A = tpu.sem_alloc : memref<!tpu.dma_semaphore, #tpu.memory_space<semaphore_mem>>
      %dma_start3A = arith.constant 0 : i32
      %dma_start3A_13 = tpu.memref_slice %arg6[%add3A, %dma_start3A] : memref<20224x64xf32, #tpu.memory_space<hbm>> -> memref<632x64xf32, #tpu.memory_space<hbm>>
      %dma_start3A_14 = arith.constant 0 : i32
      %dma_start3A_15 = tpu.memref_slice %arg11[%mul3A_8, %dma_start3A_14] : memref<10112x64xf32, #tpu.memory_space<vmem_shared>> -> memref<632x64xf32, #tpu.memory_space<vmem_shared>>
      tpu.enqueue_dma source(%dma_start3A_15 : memref<632x64xf32, #tpu.memory_space<vmem_shared>>) target(%dma_start3A_13 : memref<632x64xf32, #tpu.memory_space<hbm>>) target_semaphore(%run_scoped3A : memref<!tpu.dma_semaphore, #tpu.memory_space<semaphore_mem>>)
      %dma_wait3A = arith.constant 0 : i32
      %dma_wait3A_16 = tpu.memref_slice %arg6[%add3A, %dma_wait3A] : memref<20224x64xf32, #tpu.memory_space<hbm>> -> memref<632x64xf32, #tpu.memory_space<hbm>>
      %dma_wait3A_17 = arith.constant 0 : i32
      %dma_wait3A_18 = tpu.memref_slice %arg11[%mul3A_8, %dma_wait3A_17] : memref<10112x64xf32, #tpu.memory_space<vmem_shared>> -> memref<632x64xf32, #tpu.memory_space<vmem_shared>>
      tpu.wait_dma2 semaphore(%run_scoped3A : memref<!tpu.dma_semaphore, #tpu.memory_space<semaphore_mem>>) src(%dma_wait3A_18 : memref<632x64xf32, #tpu.memory_space<vmem_shared>>) dst(%dma_wait3A_16 : memref<632x64xf32, #tpu.memory_space<hbm>>)
      tpu.yield
    }) : () -> ()
    return
  }
}

#map = affine_map<(d0, d1) -> (0, 0, 0, 0)>
#map1 = affine_map<(d0, d1) -> (0, 0)>
module attributes {stable_mosaic.version = 14 : i64} {
  func.func @body(%arg0: i32, %arg1: i32, %arg2: memref<2x16x40x128xi32, #tpu.memory_space<hbm>>, %arg3: memref<128x16xf32, #tpu.memory_space<hbm>>, %arg4: memref<632x16xf32, #tpu.memory_space<hbm>>, %arg5: memref<20224x16xf32, #tpu.memory_space<hbm>>, %arg6: memref<40x128xi32, #tpu.memory_space<vmem>>, %arg7: memref<128x16xf32, #tpu.memory_space<vmem>>, %arg8: memref<10112x16xf32, #tpu.memory_space<vmem_shared>>) attributes {dimension_semantics = [#tpu.dimension_semantics<core_parallel>, #tpu.dimension_semantics<subcore_parallel>], iteration_bounds = array<i64: 2, 16>, scalar_prefetch = 0 : i64, scratch_operands = 3 : i64, tpu.core_type = #tpu.core_type<sc_vector_subcore>, window_params = [{transform_indices = #map}, {transform_indices = #map1}, {transform_indices = #map1}, {transform_indices = #map1}]} {
    "tpu.region"() ({
      %run_scoped3A = tpu.sem_alloc : memref<!tpu.dma_semaphore, #tpu.memory_space<semaphore_mem>>
      tpu.enqueue_dma source(%arg3 : memref<128x16xf32, #tpu.memory_space<hbm>>) target(%arg7 : memref<128x16xf32, #tpu.memory_space<vmem>>) target_semaphore(%run_scoped3A : memref<!tpu.dma_semaphore, #tpu.memory_space<semaphore_mem>>)
      tpu.wait_dma2 semaphore(%run_scoped3A : memref<!tpu.dma_semaphore, #tpu.memory_space<semaphore_mem>>) src(%arg3 : memref<128x16xf32, #tpu.memory_space<hbm>>) dst(%arg7 : memref<128x16xf32, #tpu.memory_space<vmem>>)
      tpu.yield
    }) : () -> ()
    "tpu.region"() ({
      %run_scoped3A = tpu.sem_alloc : memref<!tpu.dma_semaphore, #tpu.memory_space<semaphore_mem>>
      %dma_start3A = arith.constant 0 : i32
      %dma_start3A_13 = arith.constant 0 : i32
      %dma_start3A_14 = arith.constant 0 : i32
      %dma_start3A_15 = tpu.memref_slice %arg2[%arg0, %dma_start3A, %dma_start3A_13, %dma_start3A_14] : memref<2x16x40x128xi32, #tpu.memory_space<hbm>> -> memref<1x16x40x128xi32, #tpu.memory_space<hbm>>
      %dma_start3A_16 = tpu.memref_squeeze %dma_start3A_15 : memref<1x16x40x128xi32, #tpu.memory_space<hbm>> -> memref<16x40x128xi32, #tpu.memory_space<hbm>>
      %dma_start3A_17 = arith.constant 0 : i32
      %dma_start3A_18 = arith.constant 0 : i32
      %dma_start3A_19 = tpu.memref_slice %dma_start3A_16[%arg1, %dma_start3A_17, %dma_start3A_18] : memref<16x40x128xi32, #tpu.memory_space<hbm>> -> memref<1x40x128xi32, #tpu.memory_space<hbm>>
      %dma_start3A_20 = tpu.memref_squeeze %dma_start3A_19 : memref<1x40x128xi32, #tpu.memory_space<hbm>> -> memref<40x128xi32, #tpu.memory_space<hbm>>
      %dma_start3A_21 = arith.constant 0 : i32
      %dma_start3A_22 = arith.constant 0 : i32
      %dma_start3A_23 = arith.constant 0 : i32
      %dma_start3A_24 = tpu.memref_slice %arg2[%arg0, %dma_start3A_21, %dma_start3A_22, %dma_start3A_23] : memref<2x16x40x128xi32, #tpu.memory_space<hbm>> -> memref<1x16x40x128xi32, #tpu.memory_space<hbm>>
      %dma_start3A_25 = tpu.memref_squeeze %dma_start3A_24 : memref<1x16x40x128xi32, #tpu.memory_space<hbm>> -> memref<16x40x128xi32, #tpu.memory_space<hbm>>
      %dma_start3A_26 = arith.constant 0 : i32
      %dma_start3A_27 = arith.constant 0 : i32
      %dma_start3A_28 = tpu.memref_slice %dma_start3A_25[%arg1, %dma_start3A_26, %dma_start3A_27] : memref<16x40x128xi32, #tpu.memory_space<hbm>> -> memref<1x40x128xi32, #tpu.memory_space<hbm>>
      %dma_start3A_29 = tpu.memref_squeeze %dma_start3A_28 : memref<1x40x128xi32, #tpu.memory_space<hbm>> -> memref<40x128xi32, #tpu.memory_space<hbm>>
      tpu.enqueue_dma source(%dma_start3A_29 : memref<40x128xi32, #tpu.memory_space<hbm>>) target(%arg6 : memref<40x128xi32, #tpu.memory_space<vmem>>) target_semaphore(%run_scoped3A : memref<!tpu.dma_semaphore, #tpu.memory_space<semaphore_mem>>)
      %dma_wait3A = arith.constant 0 : i32
      %dma_wait3A_30 = arith.constant 0 : i32
      %dma_wait3A_31 = arith.constant 0 : i32
      %dma_wait3A_32 = tpu.memref_slice %arg2[%arg0, %dma_wait3A, %dma_wait3A_30, %dma_wait3A_31] : memref<2x16x40x128xi32, #tpu.memory_space<hbm>> -> memref<1x16x40x128xi32, #tpu.memory_space<hbm>>
      %dma_wait3A_33 = tpu.memref_squeeze %dma_wait3A_32 : memref<1x16x40x128xi32, #tpu.memory_space<hbm>> -> memref<16x40x128xi32, #tpu.memory_space<hbm>>
      %dma_wait3A_34 = arith.constant 0 : i32
      %dma_wait3A_35 = arith.constant 0 : i32
      %dma_wait3A_36 = tpu.memref_slice %dma_wait3A_33[%arg1, %dma_wait3A_34, %dma_wait3A_35] : memref<16x40x128xi32, #tpu.memory_space<hbm>> -> memref<1x40x128xi32, #tpu.memory_space<hbm>>
      %dma_wait3A_37 = tpu.memref_squeeze %dma_wait3A_36 : memref<1x40x128xi32, #tpu.memory_space<hbm>> -> memref<40x128xi32, #tpu.memory_space<hbm>>
      %dma_wait3A_38 = arith.constant 0 : i32
      %dma_wait3A_39 = arith.constant 0 : i32
      %dma_wait3A_40 = arith.constant 0 : i32
      %dma_wait3A_41 = tpu.memref_slice %arg2[%arg0, %dma_wait3A_38, %dma_wait3A_39, %dma_wait3A_40] : memref<2x16x40x128xi32, #tpu.memory_space<hbm>> -> memref<1x16x40x128xi32, #tpu.memory_space<hbm>>
      %dma_wait3A_42 = tpu.memref_squeeze %dma_wait3A_41 : memref<1x16x40x128xi32, #tpu.memory_space<hbm>> -> memref<16x40x128xi32, #tpu.memory_space<hbm>>
      %dma_wait3A_43 = arith.constant 0 : i32
      %dma_wait3A_44 = arith.constant 0 : i32
      %dma_wait3A_45 = tpu.memref_slice %dma_wait3A_42[%arg1, %dma_wait3A_43, %dma_wait3A_44] : memref<16x40x128xi32, #tpu.memory_space<hbm>> -> memref<1x40x128xi32, #tpu.memory_space<hbm>>
      %dma_wait3A_46 = tpu.memref_squeeze %dma_wait3A_45 : memref<1x40x128xi32, #tpu.memory_space<hbm>> -> memref<40x128xi32, #tpu.memory_space<hbm>>
      tpu.wait_dma2 semaphore(%run_scoped3A : memref<!tpu.dma_semaphore, #tpu.memory_space<semaphore_mem>>) src(%dma_wait3A_46 : memref<40x128xi32, #tpu.memory_space<hbm>>) dst(%arg6 : memref<40x128xi32, #tpu.memory_space<vmem>>)
      tpu.yield
    }) : () -> ()
    %mul3A = arith.constant 632 : i32
    %mul3A_0 = arith.muli %arg1, %mul3A : i32
    "tpu.region"() ({
      %run_scoped3A = tpu.sem_alloc : memref<!tpu.dma_semaphore, #tpu.memory_space<semaphore_mem>>
      %dma_start3A = arith.constant 0 : i32
      %dma_start3A_13 = tpu.memref_slice %arg8[%mul3A_0, %dma_start3A] : memref<10112x16xf32, #tpu.memory_space<vmem_shared>> -> memref<632x16xf32, #tpu.memory_space<vmem_shared>>
      tpu.enqueue_dma source(%arg4 : memref<632x16xf32, #tpu.memory_space<hbm>>) target(%dma_start3A_13 : memref<632x16xf32, #tpu.memory_space<vmem_shared>>) target_semaphore(%run_scoped3A : memref<!tpu.dma_semaphore, #tpu.memory_space<semaphore_mem>>)
      %dma_wait3A = arith.constant 0 : i32
      %dma_wait3A_14 = tpu.memref_slice %arg8[%mul3A_0, %dma_wait3A] : memref<10112x16xf32, #tpu.memory_space<vmem_shared>> -> memref<632x16xf32, #tpu.memory_space<vmem_shared>>
      tpu.wait_dma2 semaphore(%run_scoped3A : memref<!tpu.dma_semaphore, #tpu.memory_space<semaphore_mem>>) src(%arg4 : memref<632x16xf32, #tpu.memory_space<hbm>>) dst(%dma_wait3A_14 : memref<632x16xf32, #tpu.memory_space<vmem_shared>>)
      tpu.yield
    }) : () -> ()
    %barrier3A = arith.constant 0 : index
    tpu.barrier barrier_id(%barrier3A)
    %scan3A = arith.constant 0 : i32
    %scan3A_1 = arith.constant 0 : i32
    %scan3A_2 = arith.constant 40 : i32
    %scan3A_3 = arith.addi %scan3A_1, %scan3A_2 : i32
    %scan3A_4 = arith.constant 1 : i32
    scf.for %scan3A_13 = %scan3A_1 to %scan3A_3 step %scan3A_4  : i32 {
      "tpu.region"() ({
        %run_scoped3A = tpu.sem_alloc : memref<!tpu.dma_semaphore, #tpu.memory_space<semaphore_mem>>
        %dma_start3A = arith.constant 0 : i32
        %dma_start3A_14 = tpu.memref_slice %arg6[%scan3A_13, %dma_start3A] : memref<40x128xi32, #tpu.memory_space<vmem>> -> memref<1x128xi32, #tpu.memory_space<vmem>>
        %dma_start3A_15 = tpu.memref_squeeze %dma_start3A_14 : memref<1x128xi32, #tpu.memory_space<vmem>> -> memref<128xi32, #tpu.memory_space<vmem>>
        %dma_start3A_16 = arith.constant 0 : i32
        %dma_start3A_17 = arith.constant 0 : i32
        %dma_start3A_18 = tpu.memref_slice %arg8[%dma_start3A_16, %dma_start3A_17] : memref<10112x16xf32, #tpu.memory_space<vmem_shared>> -> memref<10112x16xf32, #tpu.memory_space<vmem_shared>>
        tpu.enqueue_indirect_dma source(%arg7 : memref<128x16xf32, #tpu.memory_space<vmem>>) target(%dma_start3A_18 : memref<10112x16xf32, #tpu.memory_space<vmem_shared>>) offsets(%dma_start3A_15 : memref<128xi32, #tpu.memory_space<vmem>>) semaphore(%run_scoped3A : memref<!tpu.dma_semaphore, #tpu.memory_space<semaphore_mem>>) {add = true}
        %dma_wait3A = arith.constant 0 : i32
        %dma_wait3A_19 = tpu.memref_slice %arg6[%scan3A_13, %dma_wait3A] : memref<40x128xi32, #tpu.memory_space<vmem>> -> memref<1x128xi32, #tpu.memory_space<vmem>>
        %dma_wait3A_20 = tpu.memref_squeeze %dma_wait3A_19 : memref<1x128xi32, #tpu.memory_space<vmem>> -> memref<128xi32, #tpu.memory_space<vmem>>
        %dma_wait3A_21 = arith.constant 0 : i32
        %dma_wait3A_22 = arith.constant 0 : i32
        %dma_wait3A_23 = tpu.memref_slice %arg8[%dma_wait3A_21, %dma_wait3A_22] : memref<10112x16xf32, #tpu.memory_space<vmem_shared>> -> memref<10112x16xf32, #tpu.memory_space<vmem_shared>>
        tpu.wait_indirect_dma semaphore(%run_scoped3A : memref<!tpu.dma_semaphore, #tpu.memory_space<semaphore_mem>>) src(%arg7 : memref<128x16xf32, #tpu.memory_space<vmem>>) dst(%dma_wait3A_23 : memref<10112x16xf32, #tpu.memory_space<vmem_shared>>)
        tpu.yield
      }) : () -> ()
    }
    %scan3A_5 = arith.constant 40 : i32
    %barrier3A_6 = arith.constant 0 : index
    tpu.barrier barrier_id(%barrier3A_6)
    %mul3A_7 = arith.constant 632 : i32
    %mul3A_8 = arith.muli %arg1, %mul3A_7 : i32
    %mul3A_9 = arith.constant 10112 : i32
    %mul3A_10 = arith.muli %arg0, %mul3A_9 : i32
    %mul3A_11 = arith.constant 632 : i32
    %mul3A_12 = arith.muli %arg1, %mul3A_11 : i32
    %add3A = arith.addi %mul3A_10, %mul3A_12 : i32
    "tpu.region"() ({
      %run_scoped3A = tpu.sem_alloc : memref<!tpu.dma_semaphore, #tpu.memory_space<semaphore_mem>>
      %dma_start3A = arith.constant 0 : i32
      %dma_start3A_13 = tpu.memref_slice %arg5[%add3A, %dma_start3A] : memref<20224x16xf32, #tpu.memory_space<hbm>> -> memref<632x16xf32, #tpu.memory_space<hbm>>
      %dma_start3A_14 = arith.constant 0 : i32
      %dma_start3A_15 = tpu.memref_slice %arg8[%mul3A_8, %dma_start3A_14] : memref<10112x16xf32, #tpu.memory_space<vmem_shared>> -> memref<632x16xf32, #tpu.memory_space<vmem_shared>>
      tpu.enqueue_dma source(%dma_start3A_15 : memref<632x16xf32, #tpu.memory_space<vmem_shared>>) target(%dma_start3A_13 : memref<632x16xf32, #tpu.memory_space<hbm>>) target_semaphore(%run_scoped3A : memref<!tpu.dma_semaphore, #tpu.memory_space<semaphore_mem>>)
      %dma_wait3A = arith.constant 0 : i32
      %dma_wait3A_16 = tpu.memref_slice %arg5[%add3A, %dma_wait3A] : memref<20224x16xf32, #tpu.memory_space<hbm>> -> memref<632x16xf32, #tpu.memory_space<hbm>>
      %dma_wait3A_17 = arith.constant 0 : i32
      %dma_wait3A_18 = tpu.memref_slice %arg8[%mul3A_8, %dma_wait3A_17] : memref<10112x16xf32, #tpu.memory_space<vmem_shared>> -> memref<632x16xf32, #tpu.memory_space<vmem_shared>>
      tpu.wait_dma2 semaphore(%run_scoped3A : memref<!tpu.dma_semaphore, #tpu.memory_space<semaphore_mem>>) src(%dma_wait3A_18 : memref<632x16xf32, #tpu.memory_space<vmem_shared>>) dst(%dma_wait3A_16 : memref<632x16xf32, #tpu.memory_space<hbm>>)
      tpu.yield
    }) : () -> ()
    return
  }
}

#map = affine_map<(d0, d1) -> (0, 0)>
#map1 = affine_map<(d0, d1) -> (0, 0, 0, 0)>
#map2 = affine_map<(d0, d1) -> (0, 0, 0)>
module attributes {stable_mosaic.version = 14 : i64} {
  func.func @body(%arg0: i32, %arg1: i32, %arg2: memref<20000x32xf32, #tpu.memory_space<hbm>>, %arg3: memref<2x16x82x128xi32, #tpu.memory_space<hbm>>, %arg4: memref<16x80x128xi32, #tpu.memory_space<hbm>>, %arg5: memref<632x32xf32, #tpu.memory_space<hbm>>, %arg6: memref<20224x32xf32, #tpu.memory_space<hbm>>, %arg7: memref<82x128xi32, #tpu.memory_space<vmem>>, %arg8: memref<80x128xi32, #tpu.memory_space<vmem>>, %arg9: memref<128x32xf32, #tpu.memory_space<vmem>>, %arg10: memref<128x32xf32, #tpu.memory_space<vmem>>, %arg11: memref<10112x32xf32, #tpu.memory_space<vmem_shared>>, %arg12: memref<!tpu.dma_semaphore, #tpu.memory_space<semaphore_mem>>, %arg13: memref<!tpu.dma_semaphore, #tpu.memory_space<semaphore_mem>>) attributes {dimension_semantics = [#tpu.dimension_semantics<core_parallel>, #tpu.dimension_semantics<subcore_parallel>], iteration_bounds = array<i64: 2, 16>, scalar_prefetch = 0 : i64, scratch_operands = 7 : i64, tpu.core_type = #tpu.core_type<sc_vector_subcore>, window_params = [{transform_indices = #map}, {transform_indices = #map1}, {transform_indices = #map2}, {transform_indices = #map}, {transform_indices = #map}]} {
    "tpu.region"() ({
      %run_scoped3A = tpu.sem_alloc : memref<!tpu.dma_semaphore, #tpu.memory_space<semaphore_mem>>
      %dma_start3A = arith.constant 0 : i32
      %dma_start3A_13 = arith.constant 0 : i32
      %dma_start3A_14 = arith.constant 0 : i32
      %dma_start3A_15 = tpu.memref_slice %arg3[%arg0, %dma_start3A, %dma_start3A_13, %dma_start3A_14] : memref<2x16x82x128xi32, #tpu.memory_space<hbm>> -> memref<1x16x82x128xi32, #tpu.memory_space<hbm>>
      %dma_start3A_16 = tpu.memref_squeeze %dma_start3A_15 : memref<1x16x82x128xi32, #tpu.memory_space<hbm>> -> memref<16x82x128xi32, #tpu.memory_space<hbm>>
      %dma_start3A_17 = arith.constant 0 : i32
      %dma_start3A_18 = arith.constant 0 : i32
      %dma_start3A_19 = tpu.memref_slice %dma_start3A_16[%arg1, %dma_start3A_17, %dma_start3A_18] : memref<16x82x128xi32, #tpu.memory_space<hbm>> -> memref<1x82x128xi32, #tpu.memory_space<hbm>>
      %dma_start3A_20 = tpu.memref_squeeze %dma_start3A_19 : memref<1x82x128xi32, #tpu.memory_space<hbm>> -> memref<82x128xi32, #tpu.memory_space<hbm>>
      %dma_start3A_21 = arith.constant 0 : i32
      %dma_start3A_22 = arith.constant 0 : i32
      %dma_start3A_23 = arith.constant 0 : i32
      %dma_start3A_24 = tpu.memref_slice %arg3[%arg0, %dma_start3A_21, %dma_start3A_22, %dma_start3A_23] : memref<2x16x82x128xi32, #tpu.memory_space<hbm>> -> memref<1x16x82x128xi32, #tpu.memory_space<hbm>>
      %dma_start3A_25 = tpu.memref_squeeze %dma_start3A_24 : memref<1x16x82x128xi32, #tpu.memory_space<hbm>> -> memref<16x82x128xi32, #tpu.memory_space<hbm>>
      %dma_start3A_26 = arith.constant 0 : i32
      %dma_start3A_27 = arith.constant 0 : i32
      %dma_start3A_28 = tpu.memref_slice %dma_start3A_25[%arg1, %dma_start3A_26, %dma_start3A_27] : memref<16x82x128xi32, #tpu.memory_space<hbm>> -> memref<1x82x128xi32, #tpu.memory_space<hbm>>
      %dma_start3A_29 = tpu.memref_squeeze %dma_start3A_28 : memref<1x82x128xi32, #tpu.memory_space<hbm>> -> memref<82x128xi32, #tpu.memory_space<hbm>>
      tpu.enqueue_dma source(%dma_start3A_29 : memref<82x128xi32, #tpu.memory_space<hbm>>) target(%arg7 : memref<82x128xi32, #tpu.memory_space<vmem>>) target_semaphore(%run_scoped3A : memref<!tpu.dma_semaphore, #tpu.memory_space<semaphore_mem>>)
      %dma_wait3A = arith.constant 0 : i32
      %dma_wait3A_30 = arith.constant 0 : i32
      %dma_wait3A_31 = arith.constant 0 : i32
      %dma_wait3A_32 = tpu.memref_slice %arg3[%arg0, %dma_wait3A, %dma_wait3A_30, %dma_wait3A_31] : memref<2x16x82x128xi32, #tpu.memory_space<hbm>> -> memref<1x16x82x128xi32, #tpu.memory_space<hbm>>
      %dma_wait3A_33 = tpu.memref_squeeze %dma_wait3A_32 : memref<1x16x82x128xi32, #tpu.memory_space<hbm>> -> memref<16x82x128xi32, #tpu.memory_space<hbm>>
      %dma_wait3A_34 = arith.constant 0 : i32
      %dma_wait3A_35 = arith.constant 0 : i32
      %dma_wait3A_36 = tpu.memref_slice %dma_wait3A_33[%arg1, %dma_wait3A_34, %dma_wait3A_35] : memref<16x82x128xi32, #tpu.memory_space<hbm>> -> memref<1x82x128xi32, #tpu.memory_space<hbm>>
      %dma_wait3A_37 = tpu.memref_squeeze %dma_wait3A_36 : memref<1x82x128xi32, #tpu.memory_space<hbm>> -> memref<82x128xi32, #tpu.memory_space<hbm>>
      %dma_wait3A_38 = arith.constant 0 : i32
      %dma_wait3A_39 = arith.constant 0 : i32
      %dma_wait3A_40 = arith.constant 0 : i32
      %dma_wait3A_41 = tpu.memref_slice %arg3[%arg0, %dma_wait3A_38, %dma_wait3A_39, %dma_wait3A_40] : memref<2x16x82x128xi32, #tpu.memory_space<hbm>> -> memref<1x16x82x128xi32, #tpu.memory_space<hbm>>
      %dma_wait3A_42 = tpu.memref_squeeze %dma_wait3A_41 : memref<1x16x82x128xi32, #tpu.memory_space<hbm>> -> memref<16x82x128xi32, #tpu.memory_space<hbm>>
      %dma_wait3A_43 = arith.constant 0 : i32
      %dma_wait3A_44 = arith.constant 0 : i32
      %dma_wait3A_45 = tpu.memref_slice %dma_wait3A_42[%arg1, %dma_wait3A_43, %dma_wait3A_44] : memref<16x82x128xi32, #tpu.memory_space<hbm>> -> memref<1x82x128xi32, #tpu.memory_space<hbm>>
      %dma_wait3A_46 = tpu.memref_squeeze %dma_wait3A_45 : memref<1x82x128xi32, #tpu.memory_space<hbm>> -> memref<82x128xi32, #tpu.memory_space<hbm>>
      tpu.wait_dma2 semaphore(%run_scoped3A : memref<!tpu.dma_semaphore, #tpu.memory_space<semaphore_mem>>) src(%dma_wait3A_46 : memref<82x128xi32, #tpu.memory_space<hbm>>) dst(%arg7 : memref<82x128xi32, #tpu.memory_space<vmem>>)
      tpu.yield
    }) : () -> ()
    "tpu.region"() ({
      %run_scoped3A = tpu.sem_alloc : memref<!tpu.dma_semaphore, #tpu.memory_space<semaphore_mem>>
      %dma_start3A = arith.constant 0 : i32
      %dma_start3A_13 = arith.constant 0 : i32
      %dma_start3A_14 = tpu.memref_slice %arg4[%arg1, %dma_start3A, %dma_start3A_13] : memref<16x80x128xi32, #tpu.memory_space<hbm>> -> memref<1x80x128xi32, #tpu.memory_space<hbm>>
      %dma_start3A_15 = tpu.memref_squeeze %dma_start3A_14 : memref<1x80x128xi32, #tpu.memory_space<hbm>> -> memref<80x128xi32, #tpu.memory_space<hbm>>
      %dma_start3A_16 = arith.constant 0 : i32
      %dma_start3A_17 = arith.constant 0 : i32
      %dma_start3A_18 = tpu.memref_slice %arg4[%arg1, %dma_start3A_16, %dma_start3A_17] : memref<16x80x128xi32, #tpu.memory_space<hbm>> -> memref<1x80x128xi32, #tpu.memory_space<hbm>>
      %dma_start3A_19 = tpu.memref_squeeze %dma_start3A_18 : memref<1x80x128xi32, #tpu.memory_space<hbm>> -> memref<80x128xi32, #tpu.memory_space<hbm>>
      tpu.enqueue_dma source(%dma_start3A_19 : memref<80x128xi32, #tpu.memory_space<hbm>>) target(%arg8 : memref<80x128xi32, #tpu.memory_space<vmem>>) target_semaphore(%run_scoped3A : memref<!tpu.dma_semaphore, #tpu.memory_space<semaphore_mem>>)
      %dma_wait3A = arith.constant 0 : i32
      %dma_wait3A_20 = arith.constant 0 : i32
      %dma_wait3A_21 = tpu.memref_slice %arg4[%arg1, %dma_wait3A, %dma_wait3A_20] : memref<16x80x128xi32, #tpu.memory_space<hbm>> -> memref<1x80x128xi32, #tpu.memory_space<hbm>>
      %dma_wait3A_22 = tpu.memref_squeeze %dma_wait3A_21 : memref<1x80x128xi32, #tpu.memory_space<hbm>> -> memref<80x128xi32, #tpu.memory_space<hbm>>
      %dma_wait3A_23 = arith.constant 0 : i32
      %dma_wait3A_24 = arith.constant 0 : i32
      %dma_wait3A_25 = tpu.memref_slice %arg4[%arg1, %dma_wait3A_23, %dma_wait3A_24] : memref<16x80x128xi32, #tpu.memory_space<hbm>> -> memref<1x80x128xi32, #tpu.memory_space<hbm>>
      %dma_wait3A_26 = tpu.memref_squeeze %dma_wait3A_25 : memref<1x80x128xi32, #tpu.memory_space<hbm>> -> memref<80x128xi32, #tpu.memory_space<hbm>>
      tpu.wait_dma2 semaphore(%run_scoped3A : memref<!tpu.dma_semaphore, #tpu.memory_space<semaphore_mem>>) src(%dma_wait3A_26 : memref<80x128xi32, #tpu.memory_space<hbm>>) dst(%arg8 : memref<80x128xi32, #tpu.memory_space<vmem>>)
      tpu.yield
    }) : () -> ()
    %mul3A = arith.constant 632 : i32
    %mul3A_0 = arith.muli %arg1, %mul3A : i32
    "tpu.region"() ({
      %run_scoped3A = tpu.sem_alloc : memref<!tpu.dma_semaphore, #tpu.memory_space<semaphore_mem>>
      %dma_start3A = arith.constant 0 : i32
      %dma_start3A_13 = tpu.memref_slice %arg11[%mul3A_0, %dma_start3A] : memref<10112x32xf32, #tpu.memory_space<vmem_shared>> -> memref<632x32xf32, #tpu.memory_space<vmem_shared>>
      tpu.enqueue_dma source(%arg5 : memref<632x32xf32, #tpu.memory_space<hbm>>) target(%dma_start3A_13 : memref<632x32xf32, #tpu.memory_space<vmem_shared>>) target_semaphore(%run_scoped3A : memref<!tpu.dma_semaphore, #tpu.memory_space<semaphore_mem>>)
      %dma_wait3A = arith.constant 0 : i32
      %dma_wait3A_14 = tpu.memref_slice %arg11[%mul3A_0, %dma_wait3A] : memref<10112x32xf32, #tpu.memory_space<vmem_shared>> -> memref<632x32xf32, #tpu.memory_space<vmem_shared>>
      tpu.wait_dma2 semaphore(%run_scoped3A : memref<!tpu.dma_semaphore, #tpu.memory_space<semaphore_mem>>) src(%arg5 : memref<632x32xf32, #tpu.memory_space<hbm>>) dst(%dma_wait3A_14 : memref<632x32xf32, #tpu.memory_space<vmem_shared>>)
      tpu.yield
    }) : () -> ()
    %barrier3A = arith.constant 0 : index
    tpu.barrier barrier_id(%barrier3A)
    %scan3A = arith.constant 0 : i32
    %scan3A_1 = arith.constant 0 : i32
    %scan3A_2 = arith.constant 40 : i32
    %scan3A_3 = arith.addi %scan3A_1, %scan3A_2 : i32
    %scan3A_4 = arith.constant 1 : i32
    scf.for %scan3A_13 = %scan3A_1 to %scan3A_3 step %scan3A_4  : i32 {
      %mul3A_14 = arith.constant 2 : i32
      %mul3A_15 = arith.muli %scan3A_13, %mul3A_14 : i32
      %dma_start3A = arith.constant 0 : i32
      %dma_start3A_16 = tpu.memref_slice %arg7[%mul3A_15, %dma_start3A] : memref<82x128xi32, #tpu.memory_space<vmem>> -> memref<1x128xi32, #tpu.memory_space<vmem>>
      %dma_start3A_17 = tpu.memref_squeeze %dma_start3A_16 : memref<1x128xi32, #tpu.memory_space<vmem>> -> memref<128xi32, #tpu.memory_space<vmem>>
      %dma_start3A_18 = arith.constant 0 : i32
      %dma_start3A_19 = arith.constant 0 : i32
      %dma_start3A_20 = tpu.memref_slice %arg2[%dma_start3A_18, %dma_start3A_19] : memref<20000x32xf32, #tpu.memory_space<hbm>> -> memref<20000x32xf32, #tpu.memory_space<hbm>>
      tpu.enqueue_indirect_dma source(%dma_start3A_20 : memref<20000x32xf32, #tpu.memory_space<hbm>>) target(%arg9 : memref<128x32xf32, #tpu.memory_space<vmem>>) offsets(%dma_start3A_17 : memref<128xi32, #tpu.memory_space<vmem>>) semaphore(%arg12 : memref<!tpu.dma_semaphore, #tpu.memory_space<semaphore_mem>>)
      %add3A_21 = arith.constant 1 : i32
      %add3A_22 = arith.addi %mul3A_15, %add3A_21 : i32
      %dma_start3A_23 = arith.constant 0 : i32
      %dma_start3A_24 = tpu.memref_slice %arg7[%add3A_22, %dma_start3A_23] : memref<82x128xi32, #tpu.memory_space<vmem>> -> memref<1x128xi32, #tpu.memory_space<vmem>>
      %dma_start3A_25 = tpu.memref_squeeze %dma_start3A_24 : memref<1x128xi32, #tpu.memory_space<vmem>> -> memref<128xi32, #tpu.memory_space<vmem>>
      %dma_start3A_26 = arith.constant 0 : i32
      %dma_start3A_27 = arith.constant 0 : i32
      %dma_start3A_28 = tpu.memref_slice %arg2[%dma_start3A_26, %dma_start3A_27] : memref<20000x32xf32, #tpu.memory_space<hbm>> -> memref<20000x32xf32, #tpu.memory_space<hbm>>
      tpu.enqueue_indirect_dma source(%dma_start3A_28 : memref<20000x32xf32, #tpu.memory_space<hbm>>) target(%arg10 : memref<128x32xf32, #tpu.memory_space<vmem>>) offsets(%dma_start3A_25 : memref<128xi32, #tpu.memory_space<vmem>>) semaphore(%arg13 : memref<!tpu.dma_semaphore, #tpu.memory_space<semaphore_mem>>)
      %dma_wait3A = arith.constant 0 : i32
      %dma_wait3A_29 = tpu.memref_slice %arg7[%mul3A_15, %dma_wait3A] : memref<82x128xi32, #tpu.memory_space<vmem>> -> memref<1x128xi32, #tpu.memory_space<vmem>>
      %dma_wait3A_30 = tpu.memref_squeeze %dma_wait3A_29 : memref<1x128xi32, #tpu.memory_space<vmem>> -> memref<128xi32, #tpu.memory_space<vmem>>
      %dma_wait3A_31 = arith.constant 0 : i32
      %dma_wait3A_32 = arith.constant 0 : i32
      %dma_wait3A_33 = tpu.memref_slice %arg2[%dma_wait3A_31, %dma_wait3A_32] : memref<20000x32xf32, #tpu.memory_space<hbm>> -> memref<20000x32xf32, #tpu.memory_space<hbm>>
      tpu.wait_indirect_dma semaphore(%arg12 : memref<!tpu.dma_semaphore, #tpu.memory_space<semaphore_mem>>) src(%dma_wait3A_33 : memref<20000x32xf32, #tpu.memory_space<hbm>>) dst(%arg9 : memref<128x32xf32, #tpu.memory_space<vmem>>)
      "tpu.region"() ({
        %run_scoped3A = tpu.sem_alloc : memref<!tpu.dma_semaphore, #tpu.memory_space<semaphore_mem>>
        %dma_start3A_42 = arith.constant 0 : i32
        %dma_start3A_43 = tpu.memref_slice %arg8[%mul3A_15, %dma_start3A_42] : memref<80x128xi32, #tpu.memory_space<vmem>> -> memref<1x128xi32, #tpu.memory_space<vmem>>
        %dma_start3A_44 = tpu.memref_squeeze %dma_start3A_43 : memref<1x128xi32, #tpu.memory_space<vmem>> -> memref<128xi32, #tpu.memory_space<vmem>>
        %dma_start3A_45 = arith.constant 0 : i32
        %dma_start3A_46 = arith.constant 0 : i32
        %dma_start3A_47 = tpu.memref_slice %arg11[%dma_start3A_45, %dma_start3A_46] : memref<10112x32xf32, #tpu.memory_space<vmem_shared>> -> memref<10112x32xf32, #tpu.memory_space<vmem_shared>>
        tpu.enqueue_indirect_dma source(%arg9 : memref<128x32xf32, #tpu.memory_space<vmem>>) target(%dma_start3A_47 : memref<10112x32xf32, #tpu.memory_space<vmem_shared>>) offsets(%dma_start3A_44 : memref<128xi32, #tpu.memory_space<vmem>>) semaphore(%run_scoped3A : memref<!tpu.dma_semaphore, #tpu.memory_space<semaphore_mem>>) {add = true}
        %dma_wait3A_48 = arith.constant 0 : i32
        %dma_wait3A_49 = tpu.memref_slice %arg8[%mul3A_15, %dma_wait3A_48] : memref<80x128xi32, #tpu.memory_space<vmem>> -> memref<1x128xi32, #tpu.memory_space<vmem>>
        %dma_wait3A_50 = tpu.memref_squeeze %dma_wait3A_49 : memref<1x128xi32, #tpu.memory_space<vmem>> -> memref<128xi32, #tpu.memory_space<vmem>>
        %dma_wait3A_51 = arith.constant 0 : i32
        %dma_wait3A_52 = arith.constant 0 : i32
        %dma_wait3A_53 = tpu.memref_slice %arg11[%dma_wait3A_51, %dma_wait3A_52] : memref<10112x32xf32, #tpu.memory_space<vmem_shared>> -> memref<10112x32xf32, #tpu.memory_space<vmem_shared>>
        tpu.wait_indirect_dma semaphore(%run_scoped3A : memref<!tpu.dma_semaphore, #tpu.memory_space<semaphore_mem>>) src(%arg9 : memref<128x32xf32, #tpu.memory_space<vmem>>) dst(%dma_wait3A_53 : memref<10112x32xf32, #tpu.memory_space<vmem_shared>>)
        tpu.yield
      }) : () -> ()
      %dma_wait3A_34 = arith.constant 0 : i32
      %dma_wait3A_35 = tpu.memref_slice %arg7[%add3A_22, %dma_wait3A_34] : memref<82x128xi32, #tpu.memory_space<vmem>> -> memref<1x128xi32, #tpu.memory_space<vmem>>
      %dma_wait3A_36 = tpu.memref_squeeze %dma_wait3A_35 : memref<1x128xi32, #tpu.memory_space<vmem>> -> memref<128xi32, #tpu.memory_space<vmem>>
      %dma_wait3A_37 = arith.constant 0 : i32
      %dma_wait3A_38 = arith.constant 0 : i32
      %dma_wait3A_39 = tpu.memref_slice %arg2[%dma_wait3A_37, %dma_wait3A_38] : memref<20000x32xf32, #tpu.memory_space<hbm>> -> memref<20000x32xf32, #tpu.memory_space<hbm>>
      tpu.wait_indirect_dma semaphore(%arg13 : memref<!tpu.dma_semaphore, #tpu.memory_space<semaphore_mem>>) src(%dma_wait3A_39 : memref<20000x32xf32, #tpu.memory_space<hbm>>) dst(%arg10 : memref<128x32xf32, #tpu.memory_space<vmem>>)
      %add3A_40 = arith.constant 1 : i32
      %add3A_41 = arith.addi %mul3A_15, %add3A_40 : i32
      "tpu.region"() ({
        %run_scoped3A = tpu.sem_alloc : memref<!tpu.dma_semaphore, #tpu.memory_space<semaphore_mem>>
        %dma_start3A_42 = arith.constant 0 : i32
        %dma_start3A_43 = tpu.memref_slice %arg8[%add3A_41, %dma_start3A_42] : memref<80x128xi32, #tpu.memory_space<vmem>> -> memref<1x128xi32, #tpu.memory_space<vmem>>
        %dma_start3A_44 = tpu.memref_squeeze %dma_start3A_43 : memref<1x128xi32, #tpu.memory_space<vmem>> -> memref<128xi32, #tpu.memory_space<vmem>>
        %dma_start3A_45 = arith.constant 0 : i32
        %dma_start3A_46 = arith.constant 0 : i32
        %dma_start3A_47 = tpu.memref_slice %arg11[%dma_start3A_45, %dma_start3A_46] : memref<10112x32xf32, #tpu.memory_space<vmem_shared>> -> memref<10112x32xf32, #tpu.memory_space<vmem_shared>>
        tpu.enqueue_indirect_dma source(%arg10 : memref<128x32xf32, #tpu.memory_space<vmem>>) target(%dma_start3A_47 : memref<10112x32xf32, #tpu.memory_space<vmem_shared>>) offsets(%dma_start3A_44 : memref<128xi32, #tpu.memory_space<vmem>>) semaphore(%run_scoped3A : memref<!tpu.dma_semaphore, #tpu.memory_space<semaphore_mem>>) {add = true}
        %dma_wait3A_48 = arith.constant 0 : i32
        %dma_wait3A_49 = tpu.memref_slice %arg8[%add3A_41, %dma_wait3A_48] : memref<80x128xi32, #tpu.memory_space<vmem>> -> memref<1x128xi32, #tpu.memory_space<vmem>>
        %dma_wait3A_50 = tpu.memref_squeeze %dma_wait3A_49 : memref<1x128xi32, #tpu.memory_space<vmem>> -> memref<128xi32, #tpu.memory_space<vmem>>
        %dma_wait3A_51 = arith.constant 0 : i32
        %dma_wait3A_52 = arith.constant 0 : i32
        %dma_wait3A_53 = tpu.memref_slice %arg11[%dma_wait3A_51, %dma_wait3A_52] : memref<10112x32xf32, #tpu.memory_space<vmem_shared>> -> memref<10112x32xf32, #tpu.memory_space<vmem_shared>>
        tpu.wait_indirect_dma semaphore(%run_scoped3A : memref<!tpu.dma_semaphore, #tpu.memory_space<semaphore_mem>>) src(%arg10 : memref<128x32xf32, #tpu.memory_space<vmem>>) dst(%dma_wait3A_53 : memref<10112x32xf32, #tpu.memory_space<vmem_shared>>)
        tpu.yield
      }) : () -> ()
    }
    %scan3A_5 = arith.constant 40 : i32
    %barrier3A_6 = arith.constant 0 : index
    tpu.barrier barrier_id(%barrier3A_6)
    %mul3A_7 = arith.constant 632 : i32
    %mul3A_8 = arith.muli %arg1, %mul3A_7 : i32
    %mul3A_9 = arith.constant 10112 : i32
    %mul3A_10 = arith.muli %arg0, %mul3A_9 : i32
    %mul3A_11 = arith.constant 632 : i32
    %mul3A_12 = arith.muli %arg1, %mul3A_11 : i32
    %add3A = arith.addi %mul3A_10, %mul3A_12 : i32
    "tpu.region"() ({
      %run_scoped3A = tpu.sem_alloc : memref<!tpu.dma_semaphore, #tpu.memory_space<semaphore_mem>>
      %dma_start3A = arith.constant 0 : i32
      %dma_start3A_13 = tpu.memref_slice %arg6[%add3A, %dma_start3A] : memref<20224x32xf32, #tpu.memory_space<hbm>> -> memref<632x32xf32, #tpu.memory_space<hbm>>
      %dma_start3A_14 = arith.constant 0 : i32
      %dma_start3A_15 = tpu.memref_slice %arg11[%mul3A_8, %dma_start3A_14] : memref<10112x32xf32, #tpu.memory_space<vmem_shared>> -> memref<632x32xf32, #tpu.memory_space<vmem_shared>>
      tpu.enqueue_dma source(%dma_start3A_15 : memref<632x32xf32, #tpu.memory_space<vmem_shared>>) target(%dma_start3A_13 : memref<632x32xf32, #tpu.memory_space<hbm>>) target_semaphore(%run_scoped3A : memref<!tpu.dma_semaphore, #tpu.memory_space<semaphore_mem>>)
      %dma_wait3A = arith.constant 0 : i32
      %dma_wait3A_16 = tpu.memref_slice %arg6[%add3A, %dma_wait3A] : memref<20224x32xf32, #tpu.memory_space<hbm>> -> memref<632x32xf32, #tpu.memory_space<hbm>>
      %dma_wait3A_17 = arith.constant 0 : i32
      %dma_wait3A_18 = tpu.memref_slice %arg11[%mul3A_8, %dma_wait3A_17] : memref<10112x32xf32, #tpu.memory_space<vmem_shared>> -> memref<632x32xf32, #tpu.memory_space<vmem_shared>>
      tpu.wait_dma2 semaphore(%run_scoped3A : memref<!tpu.dma_semaphore, #tpu.memory_space<semaphore_mem>>) src(%dma_wait3A_18 : memref<632x32xf32, #tpu.memory_space<vmem_shared>>) dst(%dma_wait3A_16 : memref<632x32xf32, #tpu.memory_space<hbm>>)
      tpu.yield
    }) : () -> ()
    return
  }
}

#map = affine_map<(d0, d1) -> (0, 0)>
#map1 = affine_map<(d0, d1) -> (0, 0, 0, 0)>
#map2 = affine_map<(d0, d1) -> (0, 0, 0)>
module attributes {stable_mosaic.version = 14 : i64} {
  func.func @body(%arg0: i32, %arg1: i32, %arg2: memref<40000x64xf32, #tpu.memory_space<hbm>>, %arg3: memref<2x16x82x128xi32, #tpu.memory_space<hbm>>, %arg4: memref<16x80x128xi32, #tpu.memory_space<hbm>>, %arg5: memref<632x64xf32, #tpu.memory_space<hbm>>, %arg6: memref<20224x64xf32, #tpu.memory_space<hbm>>, %arg7: memref<82x128xi32, #tpu.memory_space<vmem>>, %arg8: memref<80x128xi32, #tpu.memory_space<vmem>>, %arg9: memref<128x64xf32, #tpu.memory_space<vmem>>, %arg10: memref<128x64xf32, #tpu.memory_space<vmem>>, %arg11: memref<10112x64xf32, #tpu.memory_space<vmem_shared>>, %arg12: memref<!tpu.dma_semaphore, #tpu.memory_space<semaphore_mem>>, %arg13: memref<!tpu.dma_semaphore, #tpu.memory_space<semaphore_mem>>) attributes {dimension_semantics = [#tpu.dimension_semantics<core_parallel>, #tpu.dimension_semantics<subcore_parallel>], iteration_bounds = array<i64: 2, 16>, scalar_prefetch = 0 : i64, scratch_operands = 7 : i64, tpu.core_type = #tpu.core_type<sc_vector_subcore>, window_params = [{transform_indices = #map}, {transform_indices = #map1}, {transform_indices = #map2}, {transform_indices = #map}, {transform_indices = #map}]} {
    "tpu.region"() ({
      %run_scoped3A = tpu.sem_alloc : memref<!tpu.dma_semaphore, #tpu.memory_space<semaphore_mem>>
      %dma_start3A = arith.constant 0 : i32
      %dma_start3A_13 = arith.constant 0 : i32
      %dma_start3A_14 = arith.constant 0 : i32
      %dma_start3A_15 = tpu.memref_slice %arg3[%arg0, %dma_start3A, %dma_start3A_13, %dma_start3A_14] : memref<2x16x82x128xi32, #tpu.memory_space<hbm>> -> memref<1x16x82x128xi32, #tpu.memory_space<hbm>>
      %dma_start3A_16 = tpu.memref_squeeze %dma_start3A_15 : memref<1x16x82x128xi32, #tpu.memory_space<hbm>> -> memref<16x82x128xi32, #tpu.memory_space<hbm>>
      %dma_start3A_17 = arith.constant 0 : i32
      %dma_start3A_18 = arith.constant 0 : i32
      %dma_start3A_19 = tpu.memref_slice %dma_start3A_16[%arg1, %dma_start3A_17, %dma_start3A_18] : memref<16x82x128xi32, #tpu.memory_space<hbm>> -> memref<1x82x128xi32, #tpu.memory_space<hbm>>
      %dma_start3A_20 = tpu.memref_squeeze %dma_start3A_19 : memref<1x82x128xi32, #tpu.memory_space<hbm>> -> memref<82x128xi32, #tpu.memory_space<hbm>>
      %dma_start3A_21 = arith.constant 0 : i32
      %dma_start3A_22 = arith.constant 0 : i32
      %dma_start3A_23 = arith.constant 0 : i32
      %dma_start3A_24 = tpu.memref_slice %arg3[%arg0, %dma_start3A_21, %dma_start3A_22, %dma_start3A_23] : memref<2x16x82x128xi32, #tpu.memory_space<hbm>> -> memref<1x16x82x128xi32, #tpu.memory_space<hbm>>
      %dma_start3A_25 = tpu.memref_squeeze %dma_start3A_24 : memref<1x16x82x128xi32, #tpu.memory_space<hbm>> -> memref<16x82x128xi32, #tpu.memory_space<hbm>>
      %dma_start3A_26 = arith.constant 0 : i32
      %dma_start3A_27 = arith.constant 0 : i32
      %dma_start3A_28 = tpu.memref_slice %dma_start3A_25[%arg1, %dma_start3A_26, %dma_start3A_27] : memref<16x82x128xi32, #tpu.memory_space<hbm>> -> memref<1x82x128xi32, #tpu.memory_space<hbm>>
      %dma_start3A_29 = tpu.memref_squeeze %dma_start3A_28 : memref<1x82x128xi32, #tpu.memory_space<hbm>> -> memref<82x128xi32, #tpu.memory_space<hbm>>
      tpu.enqueue_dma source(%dma_start3A_29 : memref<82x128xi32, #tpu.memory_space<hbm>>) target(%arg7 : memref<82x128xi32, #tpu.memory_space<vmem>>) target_semaphore(%run_scoped3A : memref<!tpu.dma_semaphore, #tpu.memory_space<semaphore_mem>>)
      %dma_wait3A = arith.constant 0 : i32
      %dma_wait3A_30 = arith.constant 0 : i32
      %dma_wait3A_31 = arith.constant 0 : i32
      %dma_wait3A_32 = tpu.memref_slice %arg3[%arg0, %dma_wait3A, %dma_wait3A_30, %dma_wait3A_31] : memref<2x16x82x128xi32, #tpu.memory_space<hbm>> -> memref<1x16x82x128xi32, #tpu.memory_space<hbm>>
      %dma_wait3A_33 = tpu.memref_squeeze %dma_wait3A_32 : memref<1x16x82x128xi32, #tpu.memory_space<hbm>> -> memref<16x82x128xi32, #tpu.memory_space<hbm>>
      %dma_wait3A_34 = arith.constant 0 : i32
      %dma_wait3A_35 = arith.constant 0 : i32
      %dma_wait3A_36 = tpu.memref_slice %dma_wait3A_33[%arg1, %dma_wait3A_34, %dma_wait3A_35] : memref<16x82x128xi32, #tpu.memory_space<hbm>> -> memref<1x82x128xi32, #tpu.memory_space<hbm>>
      %dma_wait3A_37 = tpu.memref_squeeze %dma_wait3A_36 : memref<1x82x128xi32, #tpu.memory_space<hbm>> -> memref<82x128xi32, #tpu.memory_space<hbm>>
      %dma_wait3A_38 = arith.constant 0 : i32
      %dma_wait3A_39 = arith.constant 0 : i32
      %dma_wait3A_40 = arith.constant 0 : i32
      %dma_wait3A_41 = tpu.memref_slice %arg3[%arg0, %dma_wait3A_38, %dma_wait3A_39, %dma_wait3A_40] : memref<2x16x82x128xi32, #tpu.memory_space<hbm>> -> memref<1x16x82x128xi32, #tpu.memory_space<hbm>>
      %dma_wait3A_42 = tpu.memref_squeeze %dma_wait3A_41 : memref<1x16x82x128xi32, #tpu.memory_space<hbm>> -> memref<16x82x128xi32, #tpu.memory_space<hbm>>
      %dma_wait3A_43 = arith.constant 0 : i32
      %dma_wait3A_44 = arith.constant 0 : i32
      %dma_wait3A_45 = tpu.memref_slice %dma_wait3A_42[%arg1, %dma_wait3A_43, %dma_wait3A_44] : memref<16x82x128xi32, #tpu.memory_space<hbm>> -> memref<1x82x128xi32, #tpu.memory_space<hbm>>
      %dma_wait3A_46 = tpu.memref_squeeze %dma_wait3A_45 : memref<1x82x128xi32, #tpu.memory_space<hbm>> -> memref<82x128xi32, #tpu.memory_space<hbm>>
      tpu.wait_dma2 semaphore(%run_scoped3A : memref<!tpu.dma_semaphore, #tpu.memory_space<semaphore_mem>>) src(%dma_wait3A_46 : memref<82x128xi32, #tpu.memory_space<hbm>>) dst(%arg7 : memref<82x128xi32, #tpu.memory_space<vmem>>)
      tpu.yield
    }) : () -> ()
    "tpu.region"() ({
      %run_scoped3A = tpu.sem_alloc : memref<!tpu.dma_semaphore, #tpu.memory_space<semaphore_mem>>
      %dma_start3A = arith.constant 0 : i32
      %dma_start3A_13 = arith.constant 0 : i32
      %dma_start3A_14 = tpu.memref_slice %arg4[%arg1, %dma_start3A, %dma_start3A_13] : memref<16x80x128xi32, #tpu.memory_space<hbm>> -> memref<1x80x128xi32, #tpu.memory_space<hbm>>
      %dma_start3A_15 = tpu.memref_squeeze %dma_start3A_14 : memref<1x80x128xi32, #tpu.memory_space<hbm>> -> memref<80x128xi32, #tpu.memory_space<hbm>>
      %dma_start3A_16 = arith.constant 0 : i32
      %dma_start3A_17 = arith.constant 0 : i32
      %dma_start3A_18 = tpu.memref_slice %arg4[%arg1, %dma_start3A_16, %dma_start3A_17] : memref<16x80x128xi32, #tpu.memory_space<hbm>> -> memref<1x80x128xi32, #tpu.memory_space<hbm>>
      %dma_start3A_19 = tpu.memref_squeeze %dma_start3A_18 : memref<1x80x128xi32, #tpu.memory_space<hbm>> -> memref<80x128xi32, #tpu.memory_space<hbm>>
      tpu.enqueue_dma source(%dma_start3A_19 : memref<80x128xi32, #tpu.memory_space<hbm>>) target(%arg8 : memref<80x128xi32, #tpu.memory_space<vmem>>) target_semaphore(%run_scoped3A : memref<!tpu.dma_semaphore, #tpu.memory_space<semaphore_mem>>)
      %dma_wait3A = arith.constant 0 : i32
      %dma_wait3A_20 = arith.constant 0 : i32
      %dma_wait3A_21 = tpu.memref_slice %arg4[%arg1, %dma_wait3A, %dma_wait3A_20] : memref<16x80x128xi32, #tpu.memory_space<hbm>> -> memref<1x80x128xi32, #tpu.memory_space<hbm>>
      %dma_wait3A_22 = tpu.memref_squeeze %dma_wait3A_21 : memref<1x80x128xi32, #tpu.memory_space<hbm>> -> memref<80x128xi32, #tpu.memory_space<hbm>>
      %dma_wait3A_23 = arith.constant 0 : i32
      %dma_wait3A_24 = arith.constant 0 : i32
      %dma_wait3A_25 = tpu.memref_slice %arg4[%arg1, %dma_wait3A_23, %dma_wait3A_24] : memref<16x80x128xi32, #tpu.memory_space<hbm>> -> memref<1x80x128xi32, #tpu.memory_space<hbm>>
      %dma_wait3A_26 = tpu.memref_squeeze %dma_wait3A_25 : memref<1x80x128xi32, #tpu.memory_space<hbm>> -> memref<80x128xi32, #tpu.memory_space<hbm>>
      tpu.wait_dma2 semaphore(%run_scoped3A : memref<!tpu.dma_semaphore, #tpu.memory_space<semaphore_mem>>) src(%dma_wait3A_26 : memref<80x128xi32, #tpu.memory_space<hbm>>) dst(%arg8 : memref<80x128xi32, #tpu.memory_space<vmem>>)
      tpu.yield
    }) : () -> ()
    %mul3A = arith.constant 632 : i32
    %mul3A_0 = arith.muli %arg1, %mul3A : i32
    "tpu.region"() ({
      %run_scoped3A = tpu.sem_alloc : memref<!tpu.dma_semaphore, #tpu.memory_space<semaphore_mem>>
      %dma_start3A = arith.constant 0 : i32
      %dma_start3A_13 = tpu.memref_slice %arg11[%mul3A_0, %dma_start3A] : memref<10112x64xf32, #tpu.memory_space<vmem_shared>> -> memref<632x64xf32, #tpu.memory_space<vmem_shared>>
      tpu.enqueue_dma source(%arg5 : memref<632x64xf32, #tpu.memory_space<hbm>>) target(%dma_start3A_13 : memref<632x64xf32, #tpu.memory_space<vmem_shared>>) target_semaphore(%run_scoped3A : memref<!tpu.dma_semaphore, #tpu.memory_space<semaphore_mem>>)
      %dma_wait3A = arith.constant 0 : i32
      %dma_wait3A_14 = tpu.memref_slice %arg11[%mul3A_0, %dma_wait3A] : memref<10112x64xf32, #tpu.memory_space<vmem_shared>> -> memref<632x64xf32, #tpu.memory_space<vmem_shared>>
      tpu.wait_dma2 semaphore(%run_scoped3A : memref<!tpu.dma_semaphore, #tpu.memory_space<semaphore_mem>>) src(%arg5 : memref<632x64xf32, #tpu.memory_space<hbm>>) dst(%dma_wait3A_14 : memref<632x64xf32, #tpu.memory_space<vmem_shared>>)
      tpu.yield
    }) : () -> ()
    %barrier3A = arith.constant 0 : index
    tpu.barrier barrier_id(%barrier3A)
    %scan3A = arith.constant 0 : i32
    %scan3A_1 = arith.constant 0 : i32
    %scan3A_2 = arith.constant 40 : i32
    %scan3A_3 = arith.addi %scan3A_1, %scan3A_2 : i32
    %scan3A_4 = arith.constant 1 : i32
    scf.for %scan3A_13 = %scan3A_1 to %scan3A_3 step %scan3A_4  : i32 {
      %mul3A_14 = arith.constant 2 : i32
      %mul3A_15 = arith.muli %scan3A_13, %mul3A_14 : i32
      %dma_start3A = arith.constant 0 : i32
      %dma_start3A_16 = tpu.memref_slice %arg7[%mul3A_15, %dma_start3A] : memref<82x128xi32, #tpu.memory_space<vmem>> -> memref<1x128xi32, #tpu.memory_space<vmem>>
      %dma_start3A_17 = tpu.memref_squeeze %dma_start3A_16 : memref<1x128xi32, #tpu.memory_space<vmem>> -> memref<128xi32, #tpu.memory_space<vmem>>
      %dma_start3A_18 = arith.constant 0 : i32
      %dma_start3A_19 = arith.constant 0 : i32
      %dma_start3A_20 = tpu.memref_slice %arg2[%dma_start3A_18, %dma_start3A_19] : memref<40000x64xf32, #tpu.memory_space<hbm>> -> memref<40000x64xf32, #tpu.memory_space<hbm>>
      tpu.enqueue_indirect_dma source(%dma_start3A_20 : memref<40000x64xf32, #tpu.memory_space<hbm>>) target(%arg9 : memref<128x64xf32, #tpu.memory_space<vmem>>) offsets(%dma_start3A_17 : memref<128xi32, #tpu.memory_space<vmem>>) semaphore(%arg12 : memref<!tpu.dma_semaphore, #tpu.memory_space<semaphore_mem>>)
      %add3A_21 = arith.constant 1 : i32
      %add3A_22 = arith.addi %mul3A_15, %add3A_21 : i32
      %dma_start3A_23 = arith.constant 0 : i32
      %dma_start3A_24 = tpu.memref_slice %arg7[%add3A_22, %dma_start3A_23] : memref<82x128xi32, #tpu.memory_space<vmem>> -> memref<1x128xi32, #tpu.memory_space<vmem>>
      %dma_start3A_25 = tpu.memref_squeeze %dma_start3A_24 : memref<1x128xi32, #tpu.memory_space<vmem>> -> memref<128xi32, #tpu.memory_space<vmem>>
      %dma_start3A_26 = arith.constant 0 : i32
      %dma_start3A_27 = arith.constant 0 : i32
      %dma_start3A_28 = tpu.memref_slice %arg2[%dma_start3A_26, %dma_start3A_27] : memref<40000x64xf32, #tpu.memory_space<hbm>> -> memref<40000x64xf32, #tpu.memory_space<hbm>>
      tpu.enqueue_indirect_dma source(%dma_start3A_28 : memref<40000x64xf32, #tpu.memory_space<hbm>>) target(%arg10 : memref<128x64xf32, #tpu.memory_space<vmem>>) offsets(%dma_start3A_25 : memref<128xi32, #tpu.memory_space<vmem>>) semaphore(%arg13 : memref<!tpu.dma_semaphore, #tpu.memory_space<semaphore_mem>>)
      %dma_wait3A = arith.constant 0 : i32
      %dma_wait3A_29 = tpu.memref_slice %arg7[%mul3A_15, %dma_wait3A] : memref<82x128xi32, #tpu.memory_space<vmem>> -> memref<1x128xi32, #tpu.memory_space<vmem>>
      %dma_wait3A_30 = tpu.memref_squeeze %dma_wait3A_29 : memref<1x128xi32, #tpu.memory_space<vmem>> -> memref<128xi32, #tpu.memory_space<vmem>>
      %dma_wait3A_31 = arith.constant 0 : i32
      %dma_wait3A_32 = arith.constant 0 : i32
      %dma_wait3A_33 = tpu.memref_slice %arg2[%dma_wait3A_31, %dma_wait3A_32] : memref<40000x64xf32, #tpu.memory_space<hbm>> -> memref<40000x64xf32, #tpu.memory_space<hbm>>
      tpu.wait_indirect_dma semaphore(%arg12 : memref<!tpu.dma_semaphore, #tpu.memory_space<semaphore_mem>>) src(%dma_wait3A_33 : memref<40000x64xf32, #tpu.memory_space<hbm>>) dst(%arg9 : memref<128x64xf32, #tpu.memory_space<vmem>>)
      "tpu.region"() ({
        %run_scoped3A = tpu.sem_alloc : memref<!tpu.dma_semaphore, #tpu.memory_space<semaphore_mem>>
        %dma_start3A_42 = arith.constant 0 : i32
        %dma_start3A_43 = tpu.memref_slice %arg8[%mul3A_15, %dma_start3A_42] : memref<80x128xi32, #tpu.memory_space<vmem>> -> memref<1x128xi32, #tpu.memory_space<vmem>>
        %dma_start3A_44 = tpu.memref_squeeze %dma_start3A_43 : memref<1x128xi32, #tpu.memory_space<vmem>> -> memref<128xi32, #tpu.memory_space<vmem>>
        %dma_start3A_45 = arith.constant 0 : i32
        %dma_start3A_46 = arith.constant 0 : i32
        %dma_start3A_47 = tpu.memref_slice %arg11[%dma_start3A_45, %dma_start3A_46] : memref<10112x64xf32, #tpu.memory_space<vmem_shared>> -> memref<10112x64xf32, #tpu.memory_space<vmem_shared>>
        tpu.enqueue_indirect_dma source(%arg9 : memref<128x64xf32, #tpu.memory_space<vmem>>) target(%dma_start3A_47 : memref<10112x64xf32, #tpu.memory_space<vmem_shared>>) offsets(%dma_start3A_44 : memref<128xi32, #tpu.memory_space<vmem>>) semaphore(%run_scoped3A : memref<!tpu.dma_semaphore, #tpu.memory_space<semaphore_mem>>) {add = true}
        %dma_wait3A_48 = arith.constant 0 : i32
        %dma_wait3A_49 = tpu.memref_slice %arg8[%mul3A_15, %dma_wait3A_48] : memref<80x128xi32, #tpu.memory_space<vmem>> -> memref<1x128xi32, #tpu.memory_space<vmem>>
        %dma_wait3A_50 = tpu.memref_squeeze %dma_wait3A_49 : memref<1x128xi32, #tpu.memory_space<vmem>> -> memref<128xi32, #tpu.memory_space<vmem>>
        %dma_wait3A_51 = arith.constant 0 : i32
        %dma_wait3A_52 = arith.constant 0 : i32
        %dma_wait3A_53 = tpu.memref_slice %arg11[%dma_wait3A_51, %dma_wait3A_52] : memref<10112x64xf32, #tpu.memory_space<vmem_shared>> -> memref<10112x64xf32, #tpu.memory_space<vmem_shared>>
        tpu.wait_indirect_dma semaphore(%run_scoped3A : memref<!tpu.dma_semaphore, #tpu.memory_space<semaphore_mem>>) src(%arg9 : memref<128x64xf32, #tpu.memory_space<vmem>>) dst(%dma_wait3A_53 : memref<10112x64xf32, #tpu.memory_space<vmem_shared>>)
        tpu.yield
      }) : () -> ()
      %dma_wait3A_34 = arith.constant 0 : i32
      %dma_wait3A_35 = tpu.memref_slice %arg7[%add3A_22, %dma_wait3A_34] : memref<82x128xi32, #tpu.memory_space<vmem>> -> memref<1x128xi32, #tpu.memory_space<vmem>>
      %dma_wait3A_36 = tpu.memref_squeeze %dma_wait3A_35 : memref<1x128xi32, #tpu.memory_space<vmem>> -> memref<128xi32, #tpu.memory_space<vmem>>
      %dma_wait3A_37 = arith.constant 0 : i32
      %dma_wait3A_38 = arith.constant 0 : i32
      %dma_wait3A_39 = tpu.memref_slice %arg2[%dma_wait3A_37, %dma_wait3A_38] : memref<40000x64xf32, #tpu.memory_space<hbm>> -> memref<40000x64xf32, #tpu.memory_space<hbm>>
      tpu.wait_indirect_dma semaphore(%arg13 : memref<!tpu.dma_semaphore, #tpu.memory_space<semaphore_mem>>) src(%dma_wait3A_39 : memref<40000x64xf32, #tpu.memory_space<hbm>>) dst(%arg10 : memref<128x64xf32, #tpu.memory_space<vmem>>)
      %add3A_40 = arith.constant 1 : i32
      %add3A_41 = arith.addi %mul3A_15, %add3A_40 : i32
      "tpu.region"() ({
        %run_scoped3A = tpu.sem_alloc : memref<!tpu.dma_semaphore, #tpu.memory_space<semaphore_mem>>
        %dma_start3A_42 = arith.constant 0 : i32
        %dma_start3A_43 = tpu.memref_slice %arg8[%add3A_41, %dma_start3A_42] : memref<80x128xi32, #tpu.memory_space<vmem>> -> memref<1x128xi32, #tpu.memory_space<vmem>>
        %dma_start3A_44 = tpu.memref_squeeze %dma_start3A_43 : memref<1x128xi32, #tpu.memory_space<vmem>> -> memref<128xi32, #tpu.memory_space<vmem>>
        %dma_start3A_45 = arith.constant 0 : i32
        %dma_start3A_46 = arith.constant 0 : i32
        %dma_start3A_47 = tpu.memref_slice %arg11[%dma_start3A_45, %dma_start3A_46] : memref<10112x64xf32, #tpu.memory_space<vmem_shared>> -> memref<10112x64xf32, #tpu.memory_space<vmem_shared>>
        tpu.enqueue_indirect_dma source(%arg10 : memref<128x64xf32, #tpu.memory_space<vmem>>) target(%dma_start3A_47 : memref<10112x64xf32, #tpu.memory_space<vmem_shared>>) offsets(%dma_start3A_44 : memref<128xi32, #tpu.memory_space<vmem>>) semaphore(%run_scoped3A : memref<!tpu.dma_semaphore, #tpu.memory_space<semaphore_mem>>) {add = true}
        %dma_wait3A_48 = arith.constant 0 : i32
        %dma_wait3A_49 = tpu.memref_slice %arg8[%add3A_41, %dma_wait3A_48] : memref<80x128xi32, #tpu.memory_space<vmem>> -> memref<1x128xi32, #tpu.memory_space<vmem>>
        %dma_wait3A_50 = tpu.memref_squeeze %dma_wait3A_49 : memref<1x128xi32, #tpu.memory_space<vmem>> -> memref<128xi32, #tpu.memory_space<vmem>>
        %dma_wait3A_51 = arith.constant 0 : i32
        %dma_wait3A_52 = arith.constant 0 : i32
        %dma_wait3A_53 = tpu.memref_slice %arg11[%dma_wait3A_51, %dma_wait3A_52] : memref<10112x64xf32, #tpu.memory_space<vmem_shared>> -> memref<10112x64xf32, #tpu.memory_space<vmem_shared>>
        tpu.wait_indirect_dma semaphore(%run_scoped3A : memref<!tpu.dma_semaphore, #tpu.memory_space<semaphore_mem>>) src(%arg10 : memref<128x64xf32, #tpu.memory_space<vmem>>) dst(%dma_wait3A_53 : memref<10112x64xf32, #tpu.memory_space<vmem_shared>>)
        tpu.yield
      }) : () -> ()
    }
    %scan3A_5 = arith.constant 40 : i32
    %barrier3A_6 = arith.constant 0 : index
    tpu.barrier barrier_id(%barrier3A_6)
    %mul3A_7 = arith.constant 632 : i32
    %mul3A_8 = arith.muli %arg1, %mul3A_7 : i32
    %mul3A_9 = arith.constant 10112 : i32
    %mul3A_10 = arith.muli %arg0, %mul3A_9 : i32
    %mul3A_11 = arith.constant 632 : i32
    %mul3A_12 = arith.muli %arg1, %mul3A_11 : i32
    %add3A = arith.addi %mul3A_10, %mul3A_12 : i32
    "tpu.region"() ({
      %run_scoped3A = tpu.sem_alloc : memref<!tpu.dma_semaphore, #tpu.memory_space<semaphore_mem>>
      %dma_start3A = arith.constant 0 : i32
      %dma_start3A_13 = tpu.memref_slice %arg6[%add3A, %dma_start3A] : memref<20224x64xf32, #tpu.memory_space<hbm>> -> memref<632x64xf32, #tpu.memory_space<hbm>>
      %dma_start3A_14 = arith.constant 0 : i32
      %dma_start3A_15 = tpu.memref_slice %arg11[%mul3A_8, %dma_start3A_14] : memref<10112x64xf32, #tpu.memory_space<vmem_shared>> -> memref<632x64xf32, #tpu.memory_space<vmem_shared>>
      tpu.enqueue_dma source(%dma_start3A_15 : memref<632x64xf32, #tpu.memory_space<vmem_shared>>) target(%dma_start3A_13 : memref<632x64xf32, #tpu.memory_space<hbm>>) target_semaphore(%run_scoped3A : memref<!tpu.dma_semaphore, #tpu.memory_space<semaphore_mem>>)
      %dma_wait3A = arith.constant 0 : i32
      %dma_wait3A_16 = tpu.memref_slice %arg6[%add3A, %dma_wait3A] : memref<20224x64xf32, #tpu.memory_space<hbm>> -> memref<632x64xf32, #tpu.memory_space<hbm>>
      %dma_wait3A_17 = arith.constant 0 : i32
      %dma_wait3A_18 = tpu.memref_slice %arg11[%mul3A_8, %dma_wait3A_17] : memref<10112x64xf32, #tpu.memory_space<vmem_shared>> -> memref<632x64xf32, #tpu.memory_space<vmem_shared>>
      tpu.wait_dma2 semaphore(%run_scoped3A : memref<!tpu.dma_semaphore, #tpu.memory_space<semaphore_mem>>) src(%dma_wait3A_18 : memref<632x64xf32, #tpu.memory_space<vmem_shared>>) dst(%dma_wait3A_16 : memref<632x64xf32, #tpu.memory_space<hbm>>)
      tpu.yield
    }) : () -> ()
    return
  }
}

module attributes {stable_mosaic.version = 14 : i64} {
  func.func @_tc_a_body(%arg0: i32, %arg1: memref<400x256xf32, #tpu.memory_space<vmem>>, %arg2: memref<256x512xf32, #tpu.memory_space<vmem>>, %arg3: memref<1x256xf32, #tpu.memory_space<vmem>>, %arg4: memref<2x400x16xf32, #tpu.memory_space<vmem>>, %arg5: memref<4x400x64xf32, #tpu.memory_space<vmem>>, %arg6: memref<400x256xf32, #tpu.memory_space<vmem>>, %arg7: memref<400x1xf32, #tpu.memory_space<vmem>>) attributes {dimension_semantics = [#tpu.dimension_semantics<arbitrary>], iteration_bounds = array<i64: 25>, scalar_prefetch = 0 : i64, scratch_operands = 0 : i64, tpu.core_type = #tpu.core_type<tc>, window_params = [{transform_indices = @transform_0, window_bounds = array<i64: 400, 256>}, {pipeline_mode = #tpu.pipeline_mode<synchronous>, transform_indices = @transform_1, window_bounds = array<i64: 256, 512>}, {pipeline_mode = #tpu.pipeline_mode<synchronous>, transform_indices = @transform_2, window_bounds = array<i64: 1, 256>}, {transform_indices = @transform_3, window_bounds = array<i64: 2, 400, 16>}, {transform_indices = @transform_4, window_bounds = array<i64: 4, 400, 64>}, {transform_indices = @transform_5, window_bounds = array<i64: 400, 256>}, {transform_indices = @transform_6, window_bounds = array<i64: 400, 1>}]} {
    %get3A = arith.constant 0 : index
    %get3A_0 = arith.constant 0 : index
    %get3A_1 = arith.constant 0 : index
    %get3A_2 = vector.load %arg4[%get3A, %get3A_0, %get3A_1] : memref<2x400x16xf32, #tpu.memory_space<vmem>>, vector<1x400x1xf32>
    %get3A_3 = vector.shape_cast %get3A_2 : vector<1x400x1xf32> to vector<400x1xf32>
    %get3A_4 = arith.constant 1 : index
    %get3A_5 = arith.constant 0 : index
    %get3A_6 = arith.constant 0 : index
    %get3A_7 = vector.load %arg4[%get3A_4, %get3A_5, %get3A_6] : memref<2x400x16xf32, #tpu.memory_space<vmem>>, vector<1x400x1xf32>
    %get3A_8 = vector.shape_cast %get3A_7 : vector<1x400x1xf32> to vector<400x1xf32>
    %add3A = arith.addf %get3A_3, %get3A_8 : vector<400x1xf32>
    %gt3A = arith.constant 0.000000e+00 : f32
    %gt3A_9 = vector.broadcast %gt3A : f32 to vector<400x1xf32>
    %gt3A_10 = arith.cmpf ogt, %add3A, %gt3A_9 : vector<400x1xf32>
    %rsqrt3A = math.rsqrt %add3A : vector<400x1xf32>
    %jit3A = arith.constant 0.000000e+00 : f32
    %broadcast_in_dim3A = vector.broadcast %jit3A : f32 to vector<400x1xf32>
    %select_n3A = arith.select %gt3A_10, %rsqrt3A, %broadcast_in_dim3A : vector<400x1xi1>, vector<400x1xf32>
    %get3A_11 = arith.constant 0 : index
    %get3A_12 = arith.constant 0 : index
    %get3A_13 = vector.load %arg1[%get3A_11, %get3A_12] : memref<400x256xf32, #tpu.memory_space<vmem>>, vector<400x256xf32>
    %get3A_14 = arith.constant 0 : index
    %get3A_15 = arith.constant 0 : index
    %get3A_16 = vector.load %arg2[%get3A_14, %get3A_15] : memref<256x512xf32, #tpu.memory_space<vmem>>, vector<256x512xf32>
    %dot_general3A = arith.constant dense<0.000000e+00> : vector<400x512xf32>
    %dot_general3A_17 = tpu.matmul %get3A_13, %get3A_16, %dot_general3A {dimension_numbers = #tpu.dot_dimension_numbers<[1], [0], [0], [1], [0, 0, 1, 1], [], []>, transpose_lhs_hint = false} : vector<400x256xf32>, vector<256x512xf32>, vector<400x512xf32> -> vector<400x512xf32>
    %slice3A = vector.extract_strided_slice %dot_general3A_17 {offsets = [0, 0], sizes = [400, 256], strides = [1, 1]} : vector<400x512xf32> to vector<400x256xf32>
    %mul3A = vector.broadcast %select_n3A : vector<400x1xf32> to vector<400x256xf32>
    %mul3A_18 = arith.mulf %slice3A, %mul3A : vector<400x256xf32>
    %slice3A_19 = vector.extract_strided_slice %mul3A_18 {offsets = [0, 0], sizes = [400, 64], strides = [1, 1]} : vector<400x256xf32> to vector<400x64xf32>
    %swap3A = arith.constant 0 : index
    %swap3A_20 = arith.constant 0 : index
    %swap3A_21 = arith.constant 0 : index
    %swap3A_22 = vector.load %arg5[%swap3A, %swap3A_20, %swap3A_21] : memref<4x400x64xf32, #tpu.memory_space<vmem>>, vector<1x400x64xf32>
    %swap3A_23 = vector.shape_cast %swap3A_22 : vector<1x400x64xf32> to vector<400x64xf32>
    %swap3A_24 = vector.shape_cast %slice3A_19 : vector<400x64xf32> to vector<1x400x64xf32>
    tpu.vector_store %arg5[%swap3A, %swap3A_20, %swap3A_21], %swap3A_24 {strides = array<i32>} : memref<4x400x64xf32, #tpu.memory_space<vmem>>, vector<1x400x64xf32>,
    %slice3A_25 = vector.extract_strided_slice %mul3A_18 {offsets = [0, 64], sizes = [400, 64], strides = [1, 1]} : vector<400x256xf32> to vector<400x64xf32>
    %swap3A_26 = arith.constant 1 : index
    %swap3A_27 = arith.constant 0 : index
    %swap3A_28 = arith.constant 0 : index
    %swap3A_29 = vector.load %arg5[%swap3A_26, %swap3A_27, %swap3A_28] : memref<4x400x64xf32, #tpu.memory_space<vmem>>, vector<1x400x64xf32>
    %swap3A_30 = vector.shape_cast %swap3A_29 : vector<1x400x64xf32> to vector<400x64xf32>
    %swap3A_31 = vector.shape_cast %slice3A_25 : vector<400x64xf32> to vector<1x400x64xf32>
    tpu.vector_store %arg5[%swap3A_26, %swap3A_27, %swap3A_28], %swap3A_31 {strides = array<i32>} : memref<4x400x64xf32, #tpu.memory_space<vmem>>, vector<1x400x64xf32>,
    %slice3A_32 = vector.extract_strided_slice %mul3A_18 {offsets = [0, 128], sizes = [400, 64], strides = [1, 1]} : vector<400x256xf32> to vector<400x64xf32>
    %swap3A_33 = arith.constant 2 : index
    %swap3A_34 = arith.constant 0 : index
    %swap3A_35 = arith.constant 0 : index
    %swap3A_36 = vector.load %arg5[%swap3A_33, %swap3A_34, %swap3A_35] : memref<4x400x64xf32, #tpu.memory_space<vmem>>, vector<1x400x64xf32>
    %swap3A_37 = vector.shape_cast %swap3A_36 : vector<1x400x64xf32> to vector<400x64xf32>
    %swap3A_38 = vector.shape_cast %slice3A_32 : vector<400x64xf32> to vector<1x400x64xf32>
    tpu.vector_store %arg5[%swap3A_33, %swap3A_34, %swap3A_35], %swap3A_38 {strides = array<i32>} : memref<4x400x64xf32, #tpu.memory_space<vmem>>, vector<1x400x64xf32>,
    %slice3A_39 = vector.extract_strided_slice %mul3A_18 {offsets = [0, 192], sizes = [400, 64], strides = [1, 1]} : vector<400x256xf32> to vector<400x64xf32>
    %swap3A_40 = arith.constant 3 : index
    %swap3A_41 = arith.constant 0 : index
    %swap3A_42 = arith.constant 0 : index
    %swap3A_43 = vector.load %arg5[%swap3A_40, %swap3A_41, %swap3A_42] : memref<4x400x64xf32, #tpu.memory_space<vmem>>, vector<1x400x64xf32>
    %swap3A_44 = vector.shape_cast %swap3A_43 : vector<1x400x64xf32> to vector<400x64xf32>
    %swap3A_45 = vector.shape_cast %slice3A_39 : vector<400x64xf32> to vector<1x400x64xf32>
    tpu.vector_store %arg5[%swap3A_40, %swap3A_41, %swap3A_42], %swap3A_45 {strides = array<i32>} : memref<4x400x64xf32, #tpu.memory_space<vmem>>, vector<1x400x64xf32>,
    %slice3A_46 = vector.extract_strided_slice %dot_general3A_17 {offsets = [0, 256], sizes = [400, 256], strides = [1, 1]} : vector<400x512xf32> to vector<400x256xf32>
    %get3A_47 = arith.constant 0 : index
    %get3A_48 = arith.constant 0 : index
    %get3A_49 = vector.load %arg3[%get3A_47, %get3A_48] : memref<1x256xf32, #tpu.memory_space<vmem>>, vector<1x256xf32>
    %add3A_50 = vector.broadcast %get3A_49 : vector<1x256xf32> to vector<400x256xf32>
    %add3A_51 = arith.addf %slice3A_46, %add3A_50 : vector<400x256xf32>
    %swap3A_52 = arith.constant 0 : index
    %swap3A_53 = arith.constant 0 : index
    %swap3A_54 = vector.load %arg6[%swap3A_52, %swap3A_53] : memref<400x256xf32, #tpu.memory_space<vmem>>, vector<400x256xf32>
    tpu.vector_store %arg6[%swap3A_52, %swap3A_53], %add3A_51 {strides = array<i32>} : memref<400x256xf32, #tpu.memory_space<vmem>>, vector<400x256xf32>,
    %swap3A_55 = arith.constant 0 : index
    %swap3A_56 = arith.constant 0 : index
    %swap3A_57 = vector.load %arg7[%swap3A_55, %swap3A_56] : memref<400x1xf32, #tpu.memory_space<vmem>>, vector<400x1xf32>
    tpu.vector_store %arg7[%swap3A_55, %swap3A_56], %select_n3A {strides = array<i32>} : memref<400x1xf32, #tpu.memory_space<vmem>>, vector<400x1xf32>,
    return
  }
  func.func @transform_0(%arg0: i32) -> (i32, i32) {
    %c0_i32 = arith.constant 0 : i32
    %c0_i32_0 = arith.constant 0 : i32
    return %arg0, %c0_i32 : i32, i32
  }
  func.func @transform_1(%arg0: i32) -> (i32, i32) {
    %c0_i32 = arith.constant 0 : i32
    %c0_i32_0 = arith.constant 0 : i32
    %c0_i32_1 = arith.constant 0 : i32
    return %c0_i32, %c0_i32_0 : i32, i32
  }
  func.func @transform_2(%arg0: i32) -> (i32, i32) {
    %c0_i32 = arith.constant 0 : i32
    %c0_i32_0 = arith.constant 0 : i32
    %c0_i32_1 = arith.constant 0 : i32
    return %c0_i32, %c0_i32_0 : i32, i32
  }
  func.func @transform_3(%arg0: i32) -> (i32, i32, i32) {
    %c0_i32 = arith.constant 0 : i32
    %c0_i32_0 = arith.constant 0 : i32
    %c0_i32_1 = arith.constant 0 : i32
    return %c0_i32, %arg0, %c0_i32_0 : i32, i32, i32
  }
  func.func @transform_4(%arg0: i32) -> (i32, i32, i32) {
    %c0_i32 = arith.constant 0 : i32
    %c0_i32_0 = arith.constant 0 : i32
    %c0_i32_1 = arith.constant 0 : i32
    return %c0_i32, %arg0, %c0_i32_0 : i32, i32, i32
  }
  func.func @transform_5(%arg0: i32) -> (i32, i32) {
    %c0_i32 = arith.constant 0 : i32
    %c0_i32_0 = arith.constant 0 : i32
    return %arg0, %c0_i32 : i32, i32
  }
  func.func @transform_6(%arg0: i32) -> (i32, i32) {
    %c0_i32 = arith.constant 0 : i32
    %c0_i32_0 = arith.constant 0 : i32
    return %arg0, %c0_i32 : i32, i32
  }
}

module attributes {stable_mosaic.version = 14 : i64} {
  func.func @_tc_b_body(%arg0: i32, %arg1: memref<2x400x64xf32, #tpu.memory_space<vmem>>, %arg2: memref<2x400x64xf32, #tpu.memory_space<vmem>>, %arg3: memref<400x256xf32, #tpu.memory_space<vmem>>, %arg4: memref<400x1xf32, #tpu.memory_space<vmem>>, %arg5: memref<256x128xf32, #tpu.memory_space<vmem>>, %arg6: memref<1x64xf32, #tpu.memory_space<vmem>>, %arg7: memref<2x400x32xf32, #tpu.memory_space<vmem>>, %arg8: memref<400x64xf32, #tpu.memory_space<vmem>>) attributes {dimension_semantics = [#tpu.dimension_semantics<arbitrary>], iteration_bounds = array<i64: 25>, scalar_prefetch = 0 : i64, scratch_operands = 0 : i64, tpu.core_type = #tpu.core_type<tc>, window_params = [{transform_indices = @transform_0, window_bounds = array<i64: 2, 400, 64>}, {transform_indices = @transform_1, window_bounds = array<i64: 2, 400, 64>}, {transform_indices = @transform_2, window_bounds = array<i64: 400, 256>}, {transform_indices = @transform_3, window_bounds = array<i64: 400, 1>}, {pipeline_mode = #tpu.pipeline_mode<synchronous>, transform_indices = @transform_4, window_bounds = array<i64: 256, 128>}, {pipeline_mode = #tpu.pipeline_mode<synchronous>, transform_indices = @transform_5, window_bounds = array<i64: 1, 64>}, {transform_indices = @transform_6, window_bounds = array<i64: 2, 400, 32>}, {transform_indices = @transform_7, window_bounds = array<i64: 400, 64>}]} {
    %get3A = arith.constant 0 : index
    %get3A_0 = arith.constant 0 : index
    %get3A_1 = vector.load %arg4[%get3A, %get3A_0] : memref<400x1xf32, #tpu.memory_space<vmem>>, vector<400x1xf32>
    %get3A_2 = arith.constant 0 : index
    %get3A_3 = arith.constant 0 : index
    %get3A_4 = arith.constant 0 : index
    %get3A_5 = vector.load %arg1[%get3A_2, %get3A_3, %get3A_4] : memref<2x400x64xf32, #tpu.memory_space<vmem>>, vector<1x400x64xf32>
    %get3A_6 = vector.shape_cast %get3A_5 : vector<1x400x64xf32> to vector<400x64xf32>
    %get3A_7 = arith.constant 1 : index
    %get3A_8 = arith.constant 0 : index
    %get3A_9 = arith.constant 0 : index
    %get3A_10 = vector.load %arg1[%get3A_7, %get3A_8, %get3A_9] : memref<2x400x64xf32, #tpu.memory_space<vmem>>, vector<1x400x64xf32>
    %get3A_11 = vector.shape_cast %get3A_10 : vector<1x400x64xf32> to vector<400x64xf32>
    %get3A_12 = arith.constant 0 : index
    %get3A_13 = arith.constant 0 : index
    %get3A_14 = arith.constant 0 : index
    %get3A_15 = vector.load %arg2[%get3A_12, %get3A_13, %get3A_14] : memref<2x400x64xf32, #tpu.memory_space<vmem>>, vector<1x400x64xf32>
    %get3A_16 = vector.shape_cast %get3A_15 : vector<1x400x64xf32> to vector<400x64xf32>
    %get3A_17 = arith.constant 1 : index
    %get3A_18 = arith.constant 0 : index
    %get3A_19 = arith.constant 0 : index
    %get3A_20 = vector.load %arg2[%get3A_17, %get3A_18, %get3A_19] : memref<2x400x64xf32, #tpu.memory_space<vmem>>, vector<1x400x64xf32>
    %get3A_21 = vector.shape_cast %get3A_20 : vector<1x400x64xf32> to vector<400x64xf32>
    %concatenate3A = tpu.concatenate %get3A_6, %get3A_11, %get3A_16, %get3A_21 in 1 : vector<400x64xf32>, vector<400x64xf32>, vector<400x64xf32>, vector<400x64xf32> -> vector<400x256xf32>
    %mul3A = vector.broadcast %get3A_1 : vector<400x1xf32> to vector<400x256xf32>
    %mul3A_22 = arith.mulf %concatenate3A, %mul3A : vector<400x256xf32>
    %get3A_23 = arith.constant 0 : index
    %get3A_24 = arith.constant 0 : index
    %get3A_25 = vector.load %arg3[%get3A_23, %get3A_24] : memref<400x256xf32, #tpu.memory_space<vmem>>, vector<400x256xf32>
    %add3A = arith.addf %mul3A_22, %get3A_25 : vector<400x256xf32>
    %max3A = arith.constant 0.000000e+00 : f32
    %max3A_26 = vector.broadcast %max3A : f32 to vector<400x256xf32>
    %max3A_27 = arith.maximumf %add3A, %max3A_26 : vector<400x256xf32>
    %get3A_28 = arith.constant 0 : index
    %get3A_29 = arith.constant 0 : index
    %get3A_30 = vector.load %arg5[%get3A_28, %get3A_29] : memref<256x128xf32, #tpu.memory_space<vmem>>, vector<256x128xf32>
    %dot_general3A = arith.constant dense<0.000000e+00> : vector<400x128xf32>
    %dot_general3A_31 = tpu.matmul %max3A_27, %get3A_30, %dot_general3A {dimension_numbers = #tpu.dot_dimension_numbers<[1], [0], [0], [1], [0, 0, 1, 1], [], []>, transpose_lhs_hint = false} : vector<400x256xf32>, vector<256x128xf32>, vector<400x128xf32> -> vector<400x128xf32>
    %slice3A = vector.extract_strided_slice %dot_general3A_31 {offsets = [0, 0], sizes = [400, 64], strides = [1, 1]} : vector<400x128xf32> to vector<400x64xf32>
    %mul3A_32 = vector.broadcast %get3A_1 : vector<400x1xf32> to vector<400x64xf32>
    %mul3A_33 = arith.mulf %slice3A, %mul3A_32 : vector<400x64xf32>
    %slice3A_34 = vector.extract_strided_slice %mul3A_33 {offsets = [0, 0], sizes = [400, 32], strides = [1, 1]} : vector<400x64xf32> to vector<400x32xf32>
    %swap3A = arith.constant 0 : index
    %swap3A_35 = arith.constant 0 : index
    %swap3A_36 = arith.constant 0 : index
    %swap3A_37 = vector.load %arg7[%swap3A, %swap3A_35, %swap3A_36] : memref<2x400x32xf32, #tpu.memory_space<vmem>>, vector<1x400x32xf32>
    %swap3A_38 = vector.shape_cast %swap3A_37 : vector<1x400x32xf32> to vector<400x32xf32>
    %swap3A_39 = vector.shape_cast %slice3A_34 : vector<400x32xf32> to vector<1x400x32xf32>
    tpu.vector_store %arg7[%swap3A, %swap3A_35, %swap3A_36], %swap3A_39 {strides = array<i32>} : memref<2x400x32xf32, #tpu.memory_space<vmem>>, vector<1x400x32xf32>,
    %slice3A_40 = vector.extract_strided_slice %mul3A_33 {offsets = [0, 32], sizes = [400, 32], strides = [1, 1]} : vector<400x64xf32> to vector<400x32xf32>
    %swap3A_41 = arith.constant 1 : index
    %swap3A_42 = arith.constant 0 : index
    %swap3A_43 = arith.constant 0 : index
    %swap3A_44 = vector.load %arg7[%swap3A_41, %swap3A_42, %swap3A_43] : memref<2x400x32xf32, #tpu.memory_space<vmem>>, vector<1x400x32xf32>
    %swap3A_45 = vector.shape_cast %swap3A_44 : vector<1x400x32xf32> to vector<400x32xf32>
    %swap3A_46 = vector.shape_cast %slice3A_40 : vector<400x32xf32> to vector<1x400x32xf32>
    tpu.vector_store %arg7[%swap3A_41, %swap3A_42, %swap3A_43], %swap3A_46 {strides = array<i32>} : memref<2x400x32xf32, #tpu.memory_space<vmem>>, vector<1x400x32xf32>,
    %slice3A_47 = vector.extract_strided_slice %dot_general3A_31 {offsets = [0, 64], sizes = [400, 64], strides = [1, 1]} : vector<400x128xf32> to vector<400x64xf32>
    %get3A_48 = arith.constant 0 : index
    %get3A_49 = arith.constant 0 : index
    %get3A_50 = vector.load %arg6[%get3A_48, %get3A_49] : memref<1x64xf32, #tpu.memory_space<vmem>>, vector<1x64xf32>
    %add3A_51 = vector.broadcast %get3A_50 : vector<1x64xf32> to vector<400x64xf32>
    %add3A_52 = arith.addf %slice3A_47, %add3A_51 : vector<400x64xf32>
    %swap3A_53 = arith.constant 0 : index
    %swap3A_54 = arith.constant 0 : index
    %swap3A_55 = vector.load %arg8[%swap3A_53, %swap3A_54] : memref<400x64xf32, #tpu.memory_space<vmem>>, vector<400x64xf32>
    tpu.vector_store %arg8[%swap3A_53, %swap3A_54], %add3A_52 {strides = array<i32>} : memref<400x64xf32, #tpu.memory_space<vmem>>, vector<400x64xf32>,
    return
  }
  func.func @transform_0(%arg0: i32) -> (i32, i32, i32) {
    %c0_i32 = arith.constant 0 : i32
    %c0_i32_0 = arith.constant 0 : i32
    %c0_i32_1 = arith.constant 0 : i32
    return %c0_i32, %arg0, %c0_i32_0 : i32, i32, i32
  }
  func.func @transform_1(%arg0: i32) -> (i32, i32, i32) {
    %c0_i32 = arith.constant 0 : i32
    %c0_i32_0 = arith.constant 0 : i32
    %c0_i32_1 = arith.constant 0 : i32
    return %c0_i32, %arg0, %c0_i32_0 : i32, i32, i32
  }
  func.func @transform_2(%arg0: i32) -> (i32, i32) {
    %c0_i32 = arith.constant 0 : i32
    %c0_i32_0 = arith.constant 0 : i32
    return %arg0, %c0_i32 : i32, i32
  }
  func.func @transform_3(%arg0: i32) -> (i32, i32) {
    %c0_i32 = arith.constant 0 : i32
    %c0_i32_0 = arith.constant 0 : i32
    return %arg0, %c0_i32 : i32, i32
  }
  func.func @transform_4(%arg0: i32) -> (i32, i32) {
    %c0_i32 = arith.constant 0 : i32
    %c0_i32_0 = arith.constant 0 : i32
    %c0_i32_1 = arith.constant 0 : i32
    return %c0_i32, %c0_i32_0 : i32, i32
  }
  func.func @transform_5(%arg0: i32) -> (i32, i32) {
    %c0_i32 = arith.constant 0 : i32
    %c0_i32_0 = arith.constant 0 : i32
    %c0_i32_1 = arith.constant 0 : i32
    return %c0_i32, %c0_i32_0 : i32, i32
  }
  func.func @transform_6(%arg0: i32) -> (i32, i32, i32) {
    %c0_i32 = arith.constant 0 : i32
    %c0_i32_0 = arith.constant 0 : i32
    %c0_i32_1 = arith.constant 0 : i32
    return %c0_i32, %arg0, %c0_i32_0 : i32, i32, i32
  }
  func.func @transform_7(%arg0: i32) -> (i32, i32) {
    %c0_i32 = arith.constant 0 : i32
    %c0_i32_0 = arith.constant 0 : i32
    return %arg0, %c0_i32 : i32, i32
  }
}

module attributes {stable_mosaic.version = 14 : i64} {
  func.func @_tc_c_body(%arg0: i32, %arg1: memref<2x10000x32xf32, #tpu.memory_space<vmem>>, %arg2: memref<10000x64xf32, #tpu.memory_space<vmem>>, %arg3: memref<10000x1xf32, #tpu.memory_space<vmem>>, %arg4: memref<1x10000xi32, #tpu.memory_space<vmem>>, %arg5: memref<64x10xf32, #tpu.memory_space<vmem>>, %arg6: memref<1x10xf32, #tpu.memory_space<vmem>>, %arg7: memref<128x10xf32, #tpu.memory_space<vmem>>) attributes {dimension_semantics = [#tpu.dimension_semantics<arbitrary>], iteration_bounds = array<i64: 1>, scalar_prefetch = 0 : i64, scratch_operands = 0 : i64, tpu.core_type = #tpu.core_type<tc>, window_params = [{transform_indices = @transform_0, window_bounds = array<i64: 2, 10000, 32>}, {pipeline_mode = #tpu.pipeline_mode<synchronous>, transform_indices = @transform_1, window_bounds = array<i64: 10000, 64>}, {pipeline_mode = #tpu.pipeline_mode<synchronous>, transform_indices = @transform_2, window_bounds = array<i64: 10000, 1>}, {pipeline_mode = #tpu.pipeline_mode<synchronous>, transform_indices = @transform_3, window_bounds = array<i64: 1, 10000>}, {pipeline_mode = #tpu.pipeline_mode<synchronous>, transform_indices = @transform_4, window_bounds = array<i64: 64, 10>}, {pipeline_mode = #tpu.pipeline_mode<synchronous>, transform_indices = @transform_5, window_bounds = array<i64: 1, 10>}, {pipeline_mode = #tpu.pipeline_mode<synchronous>, transform_indices = @transform_6, window_bounds = array<i64: 128, 10>}]} {
    %get3A = arith.constant 0 : index
    %get3A_0 = arith.constant 0 : index
    %get3A_1 = arith.constant 0 : index
    %get3A_2 = vector.load %arg1[%get3A, %get3A_0, %get3A_1] : memref<2x10000x32xf32, #tpu.memory_space<vmem>>, vector<1x10000x32xf32>
    %get3A_3 = vector.shape_cast %get3A_2 : vector<1x10000x32xf32> to vector<10000x32xf32>
    %get3A_4 = arith.constant 1 : index
    %get3A_5 = arith.constant 0 : index
    %get3A_6 = arith.constant 0 : index
    %get3A_7 = vector.load %arg1[%get3A_4, %get3A_5, %get3A_6] : memref<2x10000x32xf32, #tpu.memory_space<vmem>>, vector<1x10000x32xf32>
    %get3A_8 = vector.shape_cast %get3A_7 : vector<1x10000x32xf32> to vector<10000x32xf32>
    %concatenate3A = tpu.concatenate %get3A_3, %get3A_8 in 1 : vector<10000x32xf32>, vector<10000x32xf32> -> vector<10000x64xf32>
    %get3A_9 = arith.constant 0 : index
    %get3A_10 = arith.constant 0 : index
    %get3A_11 = vector.load %arg3[%get3A_9, %get3A_10] : memref<10000x1xf32, #tpu.memory_space<vmem>>, vector<10000x1xf32>
    %mul3A = vector.broadcast %get3A_11 : vector<10000x1xf32> to vector<10000x64xf32>
    %mul3A_12 = arith.mulf %concatenate3A, %mul3A : vector<10000x64xf32>
    %get3A_13 = arith.constant 0 : index
    %get3A_14 = arith.constant 0 : index
    %get3A_15 = vector.load %arg2[%get3A_13, %get3A_14] : memref<10000x64xf32, #tpu.memory_space<vmem>>, vector<10000x64xf32>
    %add3A = arith.addf %mul3A_12, %get3A_15 : vector<10000x64xf32>
    %max3A = arith.constant 0.000000e+00 : f32
    %max3A_16 = vector.broadcast %max3A : f32 to vector<10000x64xf32>
    %max3A_17 = arith.maximumf %add3A, %max3A_16 : vector<10000x64xf32>
    %iota3A = tpu.iota {dimensions = array<i32: 0>} : vector<128x10000xi32>
    %get3A_18 = arith.constant 0 : index
    %get3A_19 = arith.constant 0 : index
    %get3A_20 = vector.load %arg4[%get3A_18, %get3A_19] : memref<1x10000xi32, #tpu.memory_space<vmem>>, vector<1x10000xi32>
    %eq3A = vector.broadcast %get3A_20 : vector<1x10000xi32> to vector<128x10000xi32>
    %eq3A_21 = arith.cmpi eq, %iota3A, %eq3A : vector<128x10000xi32>
    %convert_element_type3A = arith.extui %eq3A_21 : vector<128x10000xi1> to vector<128x10000xi32>
    %convert_element_type3A_22 = arith.sitofp %convert_element_type3A : vector<128x10000xi32> to vector<128x10000xf32>
    %dot_general3A = arith.constant dense<0.000000e+00> : vector<128x64xf32>
    %dot_general3A_23 = tpu.matmul %convert_element_type3A_22, %max3A_17, %dot_general3A {dimension_numbers = #tpu.dot_dimension_numbers<[1], [0], [0], [1], [0, 0, 1, 1], [], []>, transpose_lhs_hint = false} : vector<128x10000xf32>, vector<10000x64xf32>, vector<128x64xf32> -> vector<128x64xf32>
    %reduce_sum3A = arith.constant dense<0.000000e+00> : vector<128xf32>
    %reduce_sum3A_24 = vector.multi_reduction <add>, %convert_element_type3A_22, %reduce_sum3A [1] : vector<128x10000xf32> to vector<128xf32>
    %broadcast_in_dim3A = vector.shape_cast %reduce_sum3A_24 : vector<128xf32> to vector<128x1xf32>
    %max3A_25 = arith.constant 1.000000e+00 : f32
    %max3A_26 = vector.broadcast %max3A_25 : f32 to vector<128x1xf32>
    %max3A_27 = arith.maximumf %broadcast_in_dim3A, %max3A_26 : vector<128x1xf32>
    %div3A = vector.broadcast %max3A_27 : vector<128x1xf32> to vector<128x64xf32>
    %div3A_28 = arith.divf %dot_general3A_23, %div3A : vector<128x64xf32>
    %get3A_29 = arith.constant 0 : index
    %get3A_30 = arith.constant 0 : index
    %get3A_31 = vector.load %arg5[%get3A_29, %get3A_30] : memref<64x10xf32, #tpu.memory_space<vmem>>, vector<64x10xf32>
    %dot_general3A_32 = arith.constant dense<0.000000e+00> : vector<128x10xf32>
    %dot_general3A_33 = tpu.matmul %div3A_28, %get3A_31, %dot_general3A_32 {dimension_numbers = #tpu.dot_dimension_numbers<[1], [0], [0], [1], [0, 0, 1, 1], [], []>, transpose_lhs_hint = false} : vector<128x64xf32>, vector<64x10xf32>, vector<128x10xf32> -> vector<128x10xf32>
    %get3A_34 = arith.constant 0 : index
    %get3A_35 = arith.constant 0 : index
    %get3A_36 = vector.load %arg6[%get3A_34, %get3A_35] : memref<1x10xf32, #tpu.memory_space<vmem>>, vector<1x10xf32>
    %add3A_37 = vector.broadcast %get3A_36 : vector<1x10xf32> to vector<128x10xf32>
    %add3A_38 = arith.addf %dot_general3A_33, %add3A_37 : vector<128x10xf32>
    %swap3A = arith.constant 0 : index
    %swap3A_39 = arith.constant 0 : index
    %swap3A_40 = vector.load %arg7[%swap3A, %swap3A_39] : memref<128x10xf32, #tpu.memory_space<vmem>>, vector<128x10xf32>
    tpu.vector_store %arg7[%swap3A, %swap3A_39], %add3A_38 {strides = array<i32>} : memref<128x10xf32, #tpu.memory_space<vmem>>, vector<128x10xf32>,
    return
  }
  func.func @transform_0(%arg0: i32) -> (i32, i32, i32) {
    %c0_i32 = arith.constant 0 : i32
    %c0_i32_0 = arith.constant 0 : i32
    %c0_i32_1 = arith.constant 0 : i32
    %c0_i32_2 = arith.constant 0 : i32
    return %c0_i32, %c0_i32_0, %c0_i32_1 : i32, i32, i32
  }
  func.func @transform_1(%arg0: i32) -> (i32, i32) {
    %c0_i32 = arith.constant 0 : i32
    %c0_i32_0 = arith.constant 0 : i32
    %c0_i32_1 = arith.constant 0 : i32
    return %c0_i32, %c0_i32_0 : i32, i32
  }
  func.func @transform_2(%arg0: i32) -> (i32, i32) {
    %c0_i32 = arith.constant 0 : i32
    %c0_i32_0 = arith.constant 0 : i32
    %c0_i32_1 = arith.constant 0 : i32
    return %c0_i32, %c0_i32_0 : i32, i32
  }
  func.func @transform_3(%arg0: i32) -> (i32, i32) {
    %c0_i32 = arith.constant 0 : i32
    %c0_i32_0 = arith.constant 0 : i32
    %c0_i32_1 = arith.constant 0 : i32
    return %c0_i32, %c0_i32_0 : i32, i32
  }
  func.func @transform_4(%arg0: i32) -> (i32, i32) {
    %c0_i32 = arith.constant 0 : i32
    %c0_i32_0 = arith.constant 0 : i32
    %c0_i32_1 = arith.constant 0 : i32
    return %c0_i32, %c0_i32_0 : i32, i32
  }
  func.func @transform_5(%arg0: i32) -> (i32, i32) {
    %c0_i32 = arith.constant 0 : i32
    %c0_i32_0 = arith.constant 0 : i32
    %c0_i32_1 = arith.constant 0 : i32
    return %c0_i32, %c0_i32_0 : i32, i32
  }
  func.func @transform_6(%arg0: i32) -> (i32, i32) {
    %c0_i32 = arith.constant 0 : i32
    %c0_i32_0 = arith.constant 0 : i32
    %c0_i32_1 = arith.constant 0 : i32
    return %c0_i32, %c0_i32_0 : i32, i32
  }
}

</mosaic_0001>

<sc_bundles>
// kernel: kernel.12.cloned.1.call-start
scs
__scs_entry_jumppad:
0x0: {  	(pc) =	sbr.rel $0x88, $3  }
0x1: {  	(tag) =	ssettag $0x0;
	lr =	simm.s32 $0x1  }
0x2: {  	[smem:$0x3F96] =	sst lr;
	_ =	strace $0xD0000000  }
0x3: {  	_ = 	snop  }
0x4: {  	_ = 	snop  }
0x5: {  	_ = 	snop  }
0x6: {  	_ = 	snop  }
0x7: {  	_ = 	snop  }
__scs_overlays_trampoline_lowered:
0x8: {  	[smem:$0x3FA5] =	sst s0  }
0x9: {  	[smem:$0x3FA6] =	sst s1  }
0xa: {  	[smem:$0x3FA7] =	sst s2  }
0xb: {  	[smem:$0x3FA8] =	sst s3  }
0xc: {  	[smem:$0x3FA9] =	sst s4  }
0xd: {  	[smem:$0x3FAA] =	sst s5  }
0xe: {  	[smem:$0x3FAB] =	sst s6  }
0xf: {  	[smem:$0x3FAC] =	sst s7  }
0x10: {  	[smem:$0x3FAD] =	sst s8  }
0x11: {  	[smem:$0x3FAE] =	sst s9;
	s0 =	simm.s32 @!p0 $0x0  }
0x12: {  	s1 =	sld [smem:$0x3F94];
	s0 =	simm.s32 @p0 $0x1  }
0x13: {  	[smem:$0x3FAF] =	sst s0;
	s0 =	simm.s32 @!p1 $0x0  }
0x14: {  	s2 =	sld [smem:$0x3F93];
	s0 =	simm.s32 @p1 $0x1  }
0x15: {  	[smem:$0x3FB0] =	sst s0;
	s0 =	simm.s32 @!p2 $0x0  }
0x16: {  	s3 =	sld [smem:$0x3FDB];
	s0 =	simm.s32 @p2 $0x1  }
0x17: {  	s4 =	simm.s32 $0x1BF5;
	[smem:$0x3FB2] =	sst s0  }
0x18: {  	s0 =	sld [smem:$0x3F95];
	_ =	swait.ge [sflag:s4], $0x0  }
0x19: {  	s7 =	sld [smem:$0x3F96]  }
0x1a: {  	s8 =	sadd.s32 $0xFFFFE003, lr  }
0x1b: {  	s9 =	sadd.s32 $0xFFFFFEF7, lr;
	s5 =	simm.s32 $0xFFFFFFFF;
	p2 =	slt.u32 s8, $0xFFFFF086  }
0x1c: {  	p1 =	slt.u32 s9, $0xF7A;
	s5 =	simm.s32 @!p2 $0x0  }
0x1d: {  	s5 =	simm.s32 @p1 $0x1;
	p0 =	seq.s32 s7, s2  }
0x1e: {  	s7 =	smul.u32 @!p0 $0xF7A, s2;
	p2 =	seq.s32 @!p0 s5, $0x0  }
0x1f: {  	s9 =	smul.u32 $0xF7A, s1;
	s8 =	simm.s32 @!p0 $0x1BF5;
	p2 =	por !p2, p0  }
0x20: {  	[sflag:s8] =	ssyncset.s32 @!p0 $0xFFFFF086;
	s6 =	sadd.s32 @!p0 s3, s7;
	s7 =	simm.s32 @!p0 $0x108  }
0x21: {  	s3 =	sadd.s32 s3, s9;
	s6 =	sadd.s32 @!p0 $0x88, s6;
	s7 =	simm.s32 @p2 $0x1082  }
0x22: {  	[simem:s7], [sflag:s8] =	dma.local @!p0 [hbm:s6], $0xF7A  }
0x23: {  	s9 =	sor.u32 $0xD0000000, s2;
	s6 =	simm.s32 $0x108;
	_ =	swait.ge @!p0 [sflag:s8], $0x0  }
0x24: {  	s3 =	sadd.s32 $0x88, s3;
	s6 =	simm.s32 @!p1 $0x1082;
	[sflag:s4] =	ssyncset.s32 $0xFFFFF086  }
0x25: {  	[simem:s6], [sflag:s4] =	dma.local [hbm:s3], $0xF7A  }
0x26: {  	[smem:$0x3F96] =	sst s1;
	(tag) =	ssettag s2;
	_ =	strace s9  }
0x27: {  	s1 =	sld [smem:$0x3FA6]  }
0x28: {  	s2 =	sld [smem:$0x3FA7]  }
0x29: {  	s4 =	sld [smem:$0x3FA9]  }
0x2a: {  	p0 =	seq.s32 s5, $0x0;
	s5 =	sld [smem:$0x3FAA]  }
0x2b: {  	s6 =	sld [smem:$0x3FAB]  }
0x2c: {  	s7 =	sld [smem:$0x3FAC]  }
0x2d: {  	s3 =	simm.s32 $0x108;
	s8 =	sld [smem:$0x3FAD]  }
0x2e: {  	s3 =	simm.s32 @!p0 $0x1082;
	s9 =	sld [smem:$0x3FAE]  }
0x2f: {  	lr =	sadd.s32 s0, s3;
	s0 =	sld [smem:$0x3FA5]  }
0x30: {  	s3 =	sld [smem:$0x3FA8]  }
0x31: {  	[smem:$0x3FB1] =	sst s10  }
0x32: {  	s10 =	sld [smem:$0x3FAF];
	_ =	sdelay $0x3  }
0x33: {  	p0 =	seq.s32 s10, $0x1;
	s10 =	sld [smem:$0x3FB1];
	_ =	sdelay $0x3  }
0x34: {  	[smem:$0x3FB1] =	sst s10  }
0x35: {  	s10 =	sld [smem:$0x3FB0];
	_ =	sdelay $0x3  }
0x36: {  	p1 =	seq.s32 s10, $0x1;
	s10 =	sld [smem:$0x3FB1];
	_ =	sdelay $0x3  }
0x37: {  	[smem:$0x3FB1] =	sst s10  }
0x38: {  	s10 =	sld [smem:$0x3FB2]  }
0x39: {  	_ = 	snop;
	(pc) =	sbr.ind lr, $3  }
0x3a: {  	_ = 	snop  }
0x3b: {  	_ = 	snop  }
0x3c: {  	p2 =	seq.s32 s10, $0x1;
	s10 =	sld [smem:$0x3FB1]  }
0x3d: {  	_ =	shalt  }
0x3e: {  	_ =	shalt  }
0x3f: {  	_ =	shalt  }
0x40: {  	_ =	shalt  }
0x41: {  	_ =	shalt  }
0x42: {  	_ =	shalt  }
0x43: {  	_ =	shalt  }
0x44: {  	_ =	shalt  }
0x45: {  	_ =	shalt  }
0x46: {  	_ =	shalt  }
0x47: {  	_ =	shalt  }
0x48: {  	_ =	shalt  }
0x49: {  	_ =	shalt  }
0x4a: {  	_ =	shalt  }
0x4b: {  	_ =	shalt  }
0x4c: {  	_ =	shalt  }
0x4d: {  	_ =	shalt  }
0x4e: {  	_ =	shalt  }
0x4f: {  	_ =	shalt  }
0x50: {  	_ =	shalt  }
0x51: {  	_ =	shalt  }
0x52: {  	_ =	shalt  }
0x53: {  	_ =	shalt  }
0x54: {  	_ =	shalt  }
0x55: {  	_ =	shalt  }
0x56: {  	_ =	shalt  }
0x57: {  	_ =	shalt  }
0x58: {  	_ =	shalt  }
0x59: {  	_ =	shalt  }
0x5a: {  	_ =	shalt  }
0x5b: {  	_ =	shalt  }
0x5c: {  	_ =	shalt  }
0x5d: {  	_ =	shalt  }
0x5e: {  	_ =	shalt  }
0x5f: {  	_ =	shalt  }
0x60: {  	_ =	shalt  }
0x61: {  	_ =	shalt  }
0x62: {  	_ =	shalt  }
0x63: {  	_ =	shalt  }
0x64: {  	_ =	shalt  }
0x65: {  	_ =	shalt  }
0x66: {  	_ =	shalt  }
0x67: {  	_ =	shalt  }
0x68: {  	_ =	shalt  }
0x69: {  	_ =	shalt  }
0x6a: {  	_ =	shalt  }
0x6b: {  	_ =	shalt  }
0x6c: {  	_ =	shalt  }
0x6d: {  	_ =	shalt  }
0x6e: {  	_ =	shalt  }
0x6f: {  	_ =	shalt  }
0x70: {  	_ =	shalt  }
0x71: {  	_ =	shalt  }
0x72: {  	_ =	shalt  }
0x73: {  	_ =	shalt  }
0x74: {  	_ =	shalt  }
0x75: {  	_ =	shalt  }
0x76: {  	_ =	shalt  }
0x77: {  	_ =	shalt  }
0x78: {  	_ =	shalt  }
0x79: {  	_ =	shalt  }
0x7a: {  	_ =	shalt  }
0x7b: {  	_ =	shalt  }
0x7c: {  	_ =	shalt  }
0x7d: {  	_ =	shalt  }
0x7e: {  	_ =	shalt  }
0x7f: {  	_ =	shalt  }
0x80: {  	_ =	shalt  }
0x81: {  	_ =	shalt  }
0x82: {  	_ =	shalt  }
0x83: {  	_ =	shalt  }
0x84: {  	_ =	shalt  }
0x85: {  	_ =	shalt  }
0x86: {  	_ =	shalt  }
0x87: {  	_ =	shalt  }
.Lfunc_end0:
.L_simem_size_0:
called_computation.1_lowered:
.L_overlay_start_0:
0x88: {  	s2 =	sld [smem:$0x3FD9]  }
0x89: {  	s3 =	sld [smem:$0x3FFE];
	_ =	sdelay $0x1  }
0x8a: {  	s1 =	srdreg.scid  }
0x8b: {  	s0 =	sand.u32 $0x1, s1  }
0x8c: {  	s16 =	sshll.u32 s0, $0xA;
	s2 =	sadd.s32 s3, s2  }
0x8d: {  	s2 =	sadd.s32 s2, s16  }
0x8e: {  	[smem:$0x3FBD] =	sst s2  }
0x8f: {  	_ = 	snop  }
0x90: {  	(tm) =	ssettm $0x1  }
0x91: {  	s17 =	sld [smem:$0x3FFB];
	_ =	sdelay $0x3  }
0x92: {  	_ =	strace s17  }
0x93: {  	s2 =	sld [smem:$0x3FFC];
	_ =	sdelay $0x3  }
0x94: {  	_ =	strace s2  }
0x95: {  	s2 =	sld [smem:$0x3FFD];
	_ =	sdelay $0x3  }
0x96: {  	_ =	strace s2  }
0x97: {  	_ =	strace $0x8FFFFFFF  }
0x98: {  	s18 =	sld [smem:$0x3FDB];
	_ =	sdelay $0x1  }
0x99: {  	s19 =	simm.s32 $_scs_section_size  }
0x9a: {  	s4 =	simm.s32 $_size__tile_overlayer_lowered;
	s5 =	simm.s32 $_tile_overlayer_lowered  }
0x9b: {  	s22 =	simm.s32 $0x1BFF;
	s21 =	sshll.u32 s5, $0x1;
	s2 =	sadd.s32 s19, s18  }
0x9c: {  	s6 =	simm.s32 $0x0;
	s20 =	sshll.u32 s4, $0x1;
	s4 =	sadd.s32 s21, s2  }
0x9d: {  	[timem:s6], [sflag:s22] =	dma.local [hbm:s4], s20  }
0x9e: {  	_ =	swait.ge [sflag:s22], s20  }
0x9f: {  	s3 =	ssub.s32 $0x0, s20;
	[sflag:s22] =	ssyncset.done $0x0  }
0xa0: {  	[sflag:s22] =	ssyncadd.s32 s3;
	_ =	sdelay $0x1  }
0xa1: {  	s23 =	simm.s32 $0x1B8B  }
0xa2: {  	_ =	swait.ge [sflag:s23], $0x1  }
0xa3: {  	[sflag:s23] =	ssyncset.done $0x0  }
0xa4: {  	s25 =	simm.s32 $0x1B8E;
	s24 =	sld [smem:$0x3FFE];
	[sflag:s23] =	ssyncadd.s32 $0xFFFFFFFF  }
0xa5: {  	s26 =	simm.s32 $execute0_lowered;
	[smem:$0x3FD2] =	sst s25  }
0xa6: {  	s4 =	sshll.u32 s26, $0x1;
	_ =	strace $0x80000049;
	[dreg:$0x1] =	wrdreg $0xFFFFFFFF  }
0xa7: {  	s28 =	simm.s32 $_size_execute0_lowered;
	s2 =	sadd.s32 s2, s4;
	[dreg:$0x0] =	wrdreg $0x0  }
0xa8: {  	s4 =	sshll.u32 s28, $0x1;
	[dreg:$0x2] =	wrdreg s2  }
0xa9: {  	[dreg:$0x3] =	wrdreg s4  }
0xaa: {  	[dreg:$0x4] =	wrdreg $0xC0  }
0xab: {  	_ =	task [dreg:s6], $0x5FFFF  }
0xac: {  	[dreg:$0x1] =	wrdreg $0xFFFFFFFF  }
0xad: {  	[dreg:$0x0] =	wrdreg $0x60  }
0xae: {  	[dreg:$0x2] =	wrdreg s24  }
0xaf: {  	[dreg:$0x3] =	wrdreg $0x91000  }
0xb0: {  	[dreg:$0x4] =	wrdreg $0x9  }
0xb1: {  	_ =	task.clear_ibuf [dreg:s6], $0x5FFFF;
	_ =	strace $0x90000049  }
0xb2: {  	s29 =	simm.s32 $0x9;
	_ =	strace $0x8000004B  }
0xb3: {  	_ =	swait.ge [sflag:s29], $0x1  }
0xb4: {  	[sflag:s29] =	ssyncadd.s32 $0xFFFFFFFF  }
0xb5: {  	_ =	strace $0x9000004B  }
0xb6: {  	_ =	sfence  }
0xb7: {  	s30 =	sld [smem:$0x0];
	_ =	sdelay $0x2  }
0xb8: {  	s31 =	sshll.u32 s1, $0xD;
	s1 =	sshrl.u32 s1, $0x2  }
0xb9: {  	s3 =	sand.u32 $0x4000, s31;
	s1 =	sadd.s32 s1, s30  }
0xba: {  	s0 =	sor.u32 s3, s0;
	s1 =	sshll.u32 s1, $0x11  }
0xbb: {  	s0 =	sor.u32 s1, s0  }
0xbc: {  	s0 =	sadd.s32 $0x8F2B, s0  }
0xbd: {  	[sflag:s0] =	ssyncadd.remote.s32 $0x1  }
0xbe: {  	_ =	sfence.sel $0xFFFF  }
0xbf: {  	[dreg:$0x0] =	wrdreg $0xFFFFFFFF;
	(pc) =	sbr.abs _section_cstart, $3  }
0xc0: {  	[dreg:$0x1] =	wrdreg $0xFFFFFFFF  }
0xc1: {  	_ =	task.clear_ibuf [dreg:s6], $0x2FFFF;
	_ =	strace $0x9FFFFFFF  }
0xc2: {  	(tm) =	ssettm $0x7FFFFFFF  }
0xc3: {  	_ =	shalt  }
tec
execute0_lowered:
.L_overlay_start_1:
0x0: {  	(tag) =	ssettag $0x1  }
0x1: {  	s6 =	rddreg [dreg:$0x0]  }
0x2: {  	s1 =	rddreg [dreg:$0x1];
	s2 =	srdreg.scid  }
0x3: {  	s0 =	rddreg [dreg:$0x2];
	s3 =	simm.s32 $0x0;
	s7 =	sand.u32 $0x1, s2  }
0x4: {  	s14 =	simm.s32 $0x80;
	s2 =	stileid.u32;
	s5 =	smul.u32 $0x5200, s7  }
0x5: {  	s15 =	simm.s32 $0x5100;
	s16 =	simm.s32 $0x7100;
	s8 =	smul.u32 $0x500, s2  }
0x6: {  	s17 =	simm.s32 $0x1;
	s18 =	simm.s32 $0x2;
	s9 =	smul.u32 $0x13C0, s2  }
0x7: {  	[smem:$0x7FF] =	sst s3;
	s4 =	sadd.s32 $0x106E00, s6;
	s11 =	smul.u32 $0x13C00, s7  }
0x8: {  	s19 =	simm.s32 $0x0;
	_ =	strace $0x8000004A;
	s12 =	smul.u32 $0x520, s2  }
0x9: {  	s7 =	ssub.s32 $0x2, s7;
	s26 =	smul.u32 $0x27800, s2;
	s31 =	sshll.u32 s2, $0x6  }
0xa: {  	s28 =	sshrl.u32 s7, $0x1;
	s10 =	sadd.s32 s5, s6;
	s8 =	sadd.s32 s8, s6  }
0xb: {  	s5 =	sadd.s32 $0x7200, s6;
	s9 =	sadd.s32 s9, s11;
	s29 =	ssub.s32 s7, s28  }
0xc: {  	s30 =	sshrl.u32 s26, $0x2;
	s11 =	simm.s32 $0x2900;
	s9 =	sadd.s32 s9, s6  }
0xd: {  	s10 =	sadd.s32 s12, s10;
	s7 =	sadd.s32 $0x2200, s8;
	s13 =	sadd.s32 s30, s1  }
0xe: {  	s12 =	sor.u32 $0x1C03, s31;
	s6 =	sadd.s32 $0x11600, s10;
	s8 =	sadd.s32 $0x69C00, s9  }
0xf: {  	s9 =	smax.u32 s29, $0x1;
	s10 =	simm.s32 $0x3;
	s13 =	sshrl.u32 s13, $0x3  }
.LBB2_1:
0x10: {  	[tilespmem:s3], [sflag:$0x3] =	stream.linear.gather [hbm4b:s6+s3], $0x2900, $0x38;
	[tilespmem:$0x12F00] =	vst v63  }
0x11: {  	_ =	swait.ge [sflag:s10], $0x2900  }
0x12: {  	[sflag:s10] =	ssyncset.done $0x0  }
0x13: {  	[sflag:s10] =	ssyncadd.s32 $0xFFFFD700  }
0x14: {  	[tilespmem:s11], [sflag:$0x3] =	stream.linear.gather [hbm4b:s7+s3], $0x2800, $0x38;
	[tilespmem:$0x12F00] =	vst v63  }
0x15: {  	_ =	swait.ge [sflag:s10], $0x2800  }
0x16: {  	[sflag:s10] =	ssyncset.done $0x0  }
0x17: {  	[sflag:s10] =	ssyncadd.s32 $0xFFFFD800  }
0x18: {  	[spmem:s13], [sflag:s12] =	dma.local [hbm:s5], $0x13C0  }
0x19: {  	_ =	swait.ge [sflag:s10], $0x13C0  }
0x1a: {  	[sflag:s10] =	ssyncset.done $0x0  }
0x1b: {  	[sflag:s10] =	ssyncadd.s32 $0xFFFFEC40  }
0x1c: {  	s20 =	simm.s32 $0x0;
	[bflag:$0x0] =	sbarrier.arrive $0xFFFF  }
0x1d: {  	[tilespmem:s15], [sflag:$0x1] =	stream.indirect.gather [hbm4b:s4+s14], $0x40, s20, s14, $0xb8;
	[tilespmem:$0x12F00] =	vst v63  }
0x1e: {  	s29 =	simm.s32 $0x80  }
0x1f: {  	[tilespmem:s16], [sflag:$0x2] =	stream.indirect.gather [hbm4b:s4+s14], $0x40, s29, s14, $0xb8;
	[tilespmem:$0x12F00] =	vst v63  }
0x20: {  	_ =	swait.ge [sflag:s17], $0x2000  }
0x21: {  	[sflag:s17] =	ssyncset.done $0x0  }
0x22: {  	s30 =	simm.s32 $0x2900;
	[sflag:s17] =	ssyncadd.s32 $0xFFFFE000  }
0x23: {  	[spmem:s1] =	stream.indirect.scatter.add.f32 [tilespmem:s15], [sflag:$0x3], $0x40, s30, s14, $0xb8;
	[tilespmem:$0x12F00] =	vst v63  }
0x24: {  	_ =	swait.ge [sflag:s10], $0x2000  }
0x25: {  	[sflag:s10] =	ssyncset.done $0x0  }
0x26: {  	[sflag:s10] =	ssyncadd.s32 $0xFFFFE000  }
0x27: {  	_ =	swait.ge [sflag:s18], $0x2000  }
0x28: {  	[sflag:s18] =	ssyncset.done $0x0  }
0x29: {  	s31 =	simm.s32 $0x2980;
	[sflag:s18] =	ssyncadd.s32 $0xFFFFE000  }
0x2a: {  	[spmem:s1] =	stream.indirect.scatter.add.f32 [tilespmem:s16], [sflag:$0x3], $0x40, s31, s14, $0xb8;
	[tilespmem:$0x12F00] =	vst v63  }
0x2b: {  	_ =	swait.ge [sflag:s10], $0x2000  }
0x2c: {  	s21 =	simm.s32 $0x800;
	s20 =	simm.s32 $0x400;
	[sflag:s10] =	ssyncset.done $0x0  }
.LBB2_2:
0x2d: {  	s22 =	sshra.s32 s20, $0x2  }
0x2e: {  	[sflag:s10] =	ssyncadd.s32 $0xFFFFE000;
	s20 =	smov.u32 s21;
	s23 =	sadd.s32 $0x400, s21  }
0x2f: {  	[tilespmem:s15], [sflag:$0x1] =	stream.indirect.gather [hbm4b:s4+s14], $0x40, s22, s14, $0xb8;
	[tilespmem:$0x12F00] =	vst v63  }
0x30: {  	p0 =	sne.s32 s21, $0x9C00;
	s21 =	sadd.s32 $0x80, s22  }
0x31: {  	[tilespmem:s16], [sflag:$0x2] =	stream.indirect.gather [hbm4b:s4+s14], $0x40, s21, s14, $0xb8;
	[tilespmem:$0x12F00] =	vst v63  }
0x32: {  	_ =	swait.ge [sflag:s17], $0x2000  }
0x33: {  	[sflag:s17] =	ssyncset.done $0x0  }
0x34: {  	s21 =	sadd.s32 $0x2900, s22;
	[sflag:s17] =	ssyncadd.s32 $0xFFFFE000  }
0x35: {  	[spmem:s1] =	stream.indirect.scatter.add.f32 [tilespmem:s15], [sflag:$0x3], $0x40, s21, s14, $0xb8;
	[tilespmem:$0x12F00] =	vst v63  }
0x36: {  	_ =	swait.ge [sflag:s10], $0x2000  }
0x37: {  	[sflag:s10] =	ssyncset.done $0x0  }
0x38: {  	[sflag:s10] =	ssyncadd.s32 $0xFFFFE000  }
0x39: {  	_ =	swait.ge [sflag:s18], $0x2000  }
.Ltmp0:
0x3a: {  	[sflag:s18] =	ssyncset.done $0x0;
	(pc) =	sbr.rel @p0 .LBB2_2-.Ltmp0, $4  }
0x3b: {  	s21 =	sadd.s32 $0x2980, s22;
	[sflag:s18] =	ssyncadd.s32 $0xFFFFE000  }
0x3c: {  	[spmem:s1] =	stream.indirect.scatter.add.f32 [tilespmem:s16], [sflag:$0x3], $0x40, s21, s14, $0xb8;
	[tilespmem:$0x12F00] =	vst v63  }
0x3d: {  	_ =	swait.ge [sflag:s10], $0x2000  }
0x3e: {  	s21 =	smov.u32 s23;
	[sflag:s10] =	ssyncset.done $0x0  }
0x3f: {  	s20 =	sshra.s32 s20, $0x2;
	[sflag:s10] =	ssyncadd.s32 $0xFFFFE000  }
0x40: {  	[tilespmem:s15], [sflag:$0x1] =	stream.indirect.gather [hbm4b:s4+s14], $0x40, s20, s14, $0xb8;
	[tilespmem:$0x12F00] =	vst v63  }
0x41: {  	s21 =	sadd.s32 $0x80, s20  }
0x42: {  	[tilespmem:s16], [sflag:$0x2] =	stream.indirect.gather [hbm4b:s4+s14], $0x40, s21, s14, $0xb8;
	[tilespmem:$0x12F00] =	vst v63  }
0x43: {  	_ =	swait.ge [sflag:s17], $0x2000  }
0x44: {  	[sflag:s17] =	ssyncset.done $0x0  }
0x45: {  	s31 =	sadd.s32 $0x2900, s20;
	[sflag:s17] =	ssyncadd.s32 $0xFFFFE000  }
0x46: {  	[spmem:s1] =	stream.indirect.scatter.add.f32 [tilespmem:s15], [sflag:$0x3], $0x40, s31, s14, $0xb8;
	[tilespmem:$0x12F00] =	vst v63  }
0x47: {  	_ =	swait.ge [sflag:s10], $0x2000  }
0x48: {  	[sflag:s10] =	ssyncset.done $0x0  }
0x49: {  	[sflag:s10] =	ssyncadd.s32 $0xFFFFE000  }
0x4a: {  	_ =	swait.ge [sflag:s18], $0x2000  }
0x4b: {  	[sflag:s18] =	ssyncset.done $0x0  }
0x4c: {  	s20 =	sadd.s32 $0x2980, s20;
	[sflag:s18] =	ssyncadd.s32 $0xFFFFE000  }
0x4d: {  	[spmem:s1] =	stream.indirect.scatter.add.f32 [tilespmem:s16], [sflag:$0x3], $0x40, s20, s14, $0xb8;
	[tilespmem:$0x12F00] =	vst v63  }
0x4e: {  	_ =	swait.ge [sflag:s10], $0x2000  }
0x4f: {  	s19 =	sadd.s32 $0x1, s19;
	[sflag:s10] =	ssyncset.done $0x0  }
0x50: {  	p0 =	sne.s32 s19, s9;
	[sflag:s10] =	ssyncadd.s32 $0xFFFFE000  }
.Ltmp1:
0x51: {  	[bflag:$0x0] =	sbarrier.arrive $0xFFFF;
	(pc) =	sbr.rel @p0 .LBB2_1-.Ltmp1, $4  }
0x52: {  	[hbm:s8], [sflag:s12] =	dma.local [spmem:s13], $0x13C0  }
0x53: {  	_ =	swait.ge [sflag:s10], $0x13C0  }
0x54: {  	[sflag:s10] =	ssyncset.done $0x0  }
0x55: {  	[sflag:s10] =	ssyncadd.s32 $0xFFFFEC40  }
0x56: {  	_ =	sfence.sel $0x180000  }
0x57: {  	[bflag:$0x0] =	sbarrier.arrive $0xFFFF  }
0x58: {  	p0 =	sne.s32 s2, $0x0;
	_ =	strace $0x9000004A  }
0x59: {  	s0 =	sadd.s32 @!p0 $0x100000, s0;
	[bflag:$0x2] =	sbarrier.arrive $0xFFFF  }
0x5a: {  	[sflag:s0] =	ssyncadd.tile.s32 @!p0 $0x1;
	_ =	shalt  }
.Lfunc_end2:
_tile_overlayer_lowered:
.L_overlay_start_2:
0x5b: {  	(tag) =	ssettag $0x2  }
0x5c: {  	s0 =	rddreg [dreg:$0x0];
	s2 =	stileid.u32  }
0x5d: {  	s1 =	rddreg [dreg:$0x1];
	p0 =	sne.s32 s2, $0x0  }
0x5e: {  	s3 =	rddreg [dreg:$0x2];
	[bflag:$0x3] =	sbarrier.arrive $0xFFFF;
	s2 =	simm.s32 @!p0 $0x1C03  }
0x5f: {  	[timem:s3], [sflag:s2] =	dma.local @!p0 [hbm:s0], s1  }
0x60: {  	s0 =	simm.s32 @!p0 $0x3  }
0x61: {  	_ =	swait.ge @!p0 [sflag:s0], s1  }
0x62: {  	s1 =	ssub.s32 @!p0 $0x0, s1;
	[sflag:s0] =	ssyncset.done @!p0 $0x0  }
0x63: {  	[sflag:s0] =	ssyncadd.s32 @!p0 s1  }
0x64: {  	[bflag:$0x3] =	sbarrier.arrive $0xFFFF  }
0x65: {  	_ =	shalt  }

// kernel: kernel.15.cloned.1.call-start
scs
__scs_entry_jumppad:
0x0: {  	(pc) =	sbr.rel $0x88, $3  }
0x1: {  	(tag) =	ssettag $0x0;
	lr =	simm.s32 $0x1  }
0x2: {  	[smem:$0x3F96] =	sst lr;
	_ =	strace $0xD0000000  }
0x3: {  	_ = 	snop  }
0x4: {  	_ = 	snop  }
0x5: {  	_ = 	snop  }
0x6: {  	_ = 	snop  }
0x7: {  	_ = 	snop  }
__scs_overlays_trampoline_lowered:
0x8: {  	[smem:$0x3FA5] =	sst s0  }
0x9: {  	[smem:$0x3FA6] =	sst s1  }
0xa: {  	[smem:$0x3FA7] =	sst s2  }
0xb: {  	[smem:$0x3FA8] =	sst s3  }
0xc: {  	[smem:$0x3FA9] =	sst s4  }
0xd: {  	[smem:$0x3FAA] =	sst s5  }
0xe: {  	[smem:$0x3FAB] =	sst s6  }
0xf: {  	[smem:$0x3FAC] =	sst s7  }
0x10: {  	[smem:$0x3FAD] =	sst s8  }
0x11: {  	[smem:$0x3FAE] =	sst s9;
	s0 =	simm.s32 @!p0 $0x0  }
0x12: {  	s1 =	sld [smem:$0x3F94];
	s0 =	simm.s32 @p0 $0x1  }
0x13: {  	[smem:$0x3FAF] =	sst s0;
	s0 =	simm.s32 @!p1 $0x0  }
0x14: {  	s2 =	sld [smem:$0x3F93];
	s0 =	simm.s32 @p1 $0x1  }
0x15: {  	[smem:$0x3FB0] =	sst s0;
	s0 =	simm.s32 @!p2 $0x0  }
0x16: {  	s3 =	sld [smem:$0x3FDB];
	s0 =	simm.s32 @p2 $0x1  }
0x17: {  	s4 =	simm.s32 $0x1BF5;
	[smem:$0x3FB2] =	sst s0  }
0x18: {  	s0 =	sld [smem:$0x3F95];
	_ =	swait.ge [sflag:s4], $0x0  }
0x19: {  	s7 =	sld [smem:$0x3F96]  }
0x1a: {  	s8 =	sadd.s32 $0xFFFFE003, lr  }
0x1b: {  	s9 =	sadd.s32 $0xFFFFFEF7, lr;
	s5 =	simm.s32 $0xFFFFFFFF;
	p2 =	slt.u32 s8, $0xFFFFF086  }
0x1c: {  	p1 =	slt.u32 s9, $0xF7A;
	s5 =	simm.s32 @!p2 $0x0  }
0x1d: {  	s5 =	simm.s32 @p1 $0x1;
	p0 =	seq.s32 s7, s2  }
0x1e: {  	s7 =	smul.u32 @!p0 $0xF7A, s2;
	p2 =	seq.s32 @!p0 s5, $0x0  }
0x1f: {  	s9 =	smul.u32 $0xF7A, s1;
	s8 =	simm.s32 @!p0 $0x1BF5;
	p2 =	por !p2, p0  }
0x20: {  	[sflag:s8] =	ssyncset.s32 @!p0 $0xFFFFF086;
	s6 =	sadd.s32 @!p0 s3, s7;
	s7 =	simm.s32 @!p0 $0x108  }
0x21: {  	s3 =	sadd.s32 s3, s9;
	s6 =	sadd.s32 @!p0 $0x88, s6;
	s7 =	simm.s32 @p2 $0x1082  }
0x22: {  	[simem:s7], [sflag:s8] =	dma.local @!p0 [hbm:s6], $0xF7A  }
0x23: {  	s9 =	sor.u32 $0xD0000000, s2;
	s6 =	simm.s32 $0x108;
	_ =	swait.ge @!p0 [sflag:s8], $0x0  }
0x24: {  	s3 =	sadd.s32 $0x88, s3;
	s6 =	simm.s32 @!p1 $0x1082;
	[sflag:s4] =	ssyncset.s32 $0xFFFFF086  }
0x25: {  	[simem:s6], [sflag:s4] =	dma.local [hbm:s3], $0xF7A  }
0x26: {  	[smem:$0x3F96] =	sst s1;
	(tag) =	ssettag s2;
	_ =	strace s9  }
0x27: {  	s1 =	sld [smem:$0x3FA6]  }
0x28: {  	s2 =	sld [smem:$0x3FA7]  }
0x29: {  	s4 =	sld [smem:$0x3FA9]  }
0x2a: {  	p0 =	seq.s32 s5, $0x0;
	s5 =	sld [smem:$0x3FAA]  }
0x2b: {  	s6 =	sld [smem:$0x3FAB]  }
0x2c: {  	s7 =	sld [smem:$0x3FAC]  }
0x2d: {  	s3 =	simm.s32 $0x108;
	s8 =	sld [smem:$0x3FAD]  }
0x2e: {  	s3 =	simm.s32 @!p0 $0x1082;
	s9 =	sld [smem:$0x3FAE]  }
0x2f: {  	lr =	sadd.s32 s0, s3;
	s0 =	sld [smem:$0x3FA5]  }
0x30: {  	s3 =	sld [smem:$0x3FA8]  }
0x31: {  	[smem:$0x3FB1] =	sst s10  }
0x32: {  	s10 =	sld [smem:$0x3FAF];
	_ =	sdelay $0x3  }
0x33: {  	p0 =	seq.s32 s10, $0x1;
	s10 =	sld [smem:$0x3FB1];
	_ =	sdelay $0x3  }
0x34: {  	[smem:$0x3FB1] =	sst s10  }
0x35: {  	s10 =	sld [smem:$0x3FB0];
	_ =	sdelay $0x3  }
0x36: {  	p1 =	seq.s32 s10, $0x1;
	s10 =	sld [smem:$0x3FB1];
	_ =	sdelay $0x3  }
0x37: {  	[smem:$0x3FB1] =	sst s10  }
0x38: {  	s10 =	sld [smem:$0x3FB2]  }
0x39: {  	_ = 	snop;
	(pc) =	sbr.ind lr, $3  }
0x3a: {  	_ = 	snop  }
0x3b: {  	_ = 	snop  }
0x3c: {  	p2 =	seq.s32 s10, $0x1;
	s10 =	sld [smem:$0x3FB1]  }
0x3d: {  	_ =	shalt  }
0x3e: {  	_ =	shalt  }
0x3f: {  	_ =	shalt  }
0x40: {  	_ =	shalt  }
0x41: {  	_ =	shalt  }
0x42: {  	_ =	shalt  }
0x43: {  	_ =	shalt  }
0x44: {  	_ =	shalt  }
0x45: {  	_ =	shalt  }
0x46: {  	_ =	shalt  }
0x47: {  	_ =	shalt  }
0x48: {  	_ =	shalt  }
0x49: {  	_ =	shalt  }
0x4a: {  	_ =	shalt  }
0x4b: {  	_ =	shalt  }
0x4c: {  	_ =	shalt  }
0x4d: {  	_ =	shalt  }
0x4e: {  	_ =	shalt  }
0x4f: {  	_ =	shalt  }
0x50: {  	_ =	shalt  }
0x51: {  	_ =	shalt  }
0x52: {  	_ =	shalt  }
0x53: {  	_ =	shalt  }
0x54: {  	_ =	shalt  }
0x55: {  	_ =	shalt  }
0x56: {  	_ =	shalt  }
0x57: {  	_ =	shalt  }
0x58: {  	_ =	shalt  }
0x59: {  	_ =	shalt  }
0x5a: {  	_ =	shalt  }
0x5b: {  	_ =	shalt  }
0x5c: {  	_ =	shalt  }
0x5d: {  	_ =	shalt  }
0x5e: {  	_ =	shalt  }
0x5f: {  	_ =	shalt  }
0x60: {  	_ =	shalt  }
0x61: {  	_ =	shalt  }
0x62: {  	_ =	shalt  }
0x63: {  	_ =	shalt  }
0x64: {  	_ =	shalt  }
0x65: {  	_ =	shalt  }
0x66: {  	_ =	shalt  }
0x67: {  	_ =	shalt  }
0x68: {  	_ =	shalt  }
0x69: {  	_ =	shalt  }
0x6a: {  	_ =	shalt  }
0x6b: {  	_ =	shalt  }
0x6c: {  	_ =	shalt  }
0x6d: {  	_ =	shalt  }
0x6e: {  	_ =	shalt  }
0x6f: {  	_ =	shalt  }
0x70: {  	_ =	shalt  }
0x71: {  	_ =	shalt  }
0x72: {  	_ =	shalt  }
0x73: {  	_ =	shalt  }
0x74: {  	_ =	shalt  }
0x75: {  	_ =	shalt  }
0x76: {  	_ =	shalt  }
0x77: {  	_ =	shalt  }
0x78: {  	_ =	shalt  }
0x79: {  	_ =	shalt  }
0x7a: {  	_ =	shalt  }
0x7b: {  	_ =	shalt  }
0x7c: {  	_ =	shalt  }
0x7d: {  	_ =	shalt  }
0x7e: {  	_ =	shalt  }
0x7f: {  	_ =	shalt  }
0x80: {  	_ =	shalt  }
0x81: {  	_ =	shalt  }
0x82: {  	_ =	shalt  }
0x83: {  	_ =	shalt  }
0x84: {  	_ =	shalt  }
0x85: {  	_ =	shalt  }
0x86: {  	_ =	shalt  }
0x87: {  	_ =	shalt  }
.Lfunc_end0:
.L_simem_size_0:
called_computation.2_lowered:
.L_overlay_start_0:
0x88: {  	s2 =	sld [smem:$0x3FD9]  }
0x89: {  	s3 =	sld [smem:$0x3FFE];
	_ =	sdelay $0x1  }
0x8a: {  	s1 =	srdreg.scid  }
0x8b: {  	s0 =	sand.u32 $0x1, s1  }
0x8c: {  	s17 =	sshll.u32 s0, $0xA;
	s2 =	sadd.s32 s3, s2  }
0x8d: {  	s2 =	sadd.s32 s2, s17  }
0x8e: {  	[smem:$0x3FBD] =	sst s2  }
0x8f: {  	_ = 	snop  }
0x90: {  	(tm) =	ssettm $0x1  }
0x91: {  	s18 =	sld [smem:$0x3FFB];
	_ =	sdelay $0x3  }
0x92: {  	_ =	strace s18  }
0x93: {  	s2 =	sld [smem:$0x3FFC];
	_ =	sdelay $0x3  }
0x94: {  	_ =	strace s2  }
0x95: {  	s2 =	sld [smem:$0x3FFD];
	_ =	sdelay $0x3  }
0x96: {  	_ =	strace s2  }
0x97: {  	_ =	strace $0x8FFFFFFF  }
0x98: {  	s19 =	sld [smem:$0x3FDB];
	_ =	sdelay $0x1  }
0x99: {  	s20 =	simm.s32 $_scs_section_size  }
0x9a: {  	s4 =	simm.s32 $_size__tile_overlayer_lowered;
	s5 =	simm.s32 $_tile_overlayer_lowered  }
0x9b: {  	s6 =	simm.s32 $0x1BFF;
	s21 =	sshll.u32 s5, $0x1;
	s3 =	sadd.s32 s20, s19  }
0x9c: {  	s22 =	simm.s32 $0x0;
	s4 =	sshll.u32 s4, $0x1;
	s5 =	sadd.s32 s21, s3  }
0x9d: {  	[timem:s22], [sflag:s6] =	dma.local [hbm:s5], s4  }
0x9e: {  	_ =	swait.ge [sflag:s6], s4  }
0x9f: {  	s4 =	ssub.s32 $0x0, s4;
	[sflag:s6] =	ssyncset.done $0x0  }
0xa0: {  	[sflag:s6] =	ssyncadd.s32 s4;
	_ =	sdelay $0x1  }
0xa1: {  	s23 =	simm.s32 $0x1B8B  }
0xa2: {  	_ =	swait.ge [sflag:s23], $0x1  }
0xa3: {  	[sflag:s23] =	ssyncset.done $0x0  }
0xa4: {  	[sflag:s23] =	ssyncadd.s32 $0xFFFFFFFF  }
0xa5: {  	s4 =	sld [smem:$0x0]  }
0xa6: {  	s5 =	sand.u32 $0xFFFFFFFE, s1  }
0xa7: {  	p0 =	sne.s32 s1, s5  }
0xa8: {  	s5 =	sshll.u32 @p0 s5, $0xE  }
0xa9: {  	s5 =	sadd.s32 @p0 $0x11B8D, s5;
	s6 =	sshll.u32 @p0 s4, $0x11  }
0xaa: {  	s5 =	sor.u32 @p0 s6, s5  }
0xab: {  	[sflag:s5] =	ssyncadd.remote.s32 @p0 $0x1;
	_ =	sdelay $0x1  }
0xac: {  	s5 =	simm.s32 @p0 $0x1B8D  }
0xad: {  	_ =	swait.eq @p0 [sflag:s5], $0x1  }
0xae: {  	[sflag:s5] =	ssyncadd.s32 @p0 $0xFFFFFFFF  }
0xaf: {  	s6 =	sshll.u32 @!p0 s1, $0xE  }
0xb0: {  	s6 =	sor.u32 @!p0 $0x4000, s6;
	s5 =	simm.s32 @!p0 $0x1B8D  }
0xb1: {  	s4 =	sshll.u32 @!p0 s4, $0x11;
	s6 =	sadd.s32 @!p0 $0x11B8D, s6;
	_ =	swait.eq @!p0 [sflag:s5], $0x1  }
0xb2: {  	s4 =	sor.u32 @!p0 s4, s6;
	[sflag:s5] =	ssyncadd.s32 @!p0 $0xFFFFFFFF  }
0xb3: {  	s25 =	simm.s32 $0x1B8E;
	s24 =	sld [smem:$0x3FFE];
	[sflag:s4] =	ssyncadd.remote.s32 @!p0 $0x1  }
0xb4: {  	s26 =	simm.s32 $execute0_lowered;
	[smem:$0x3FD2] =	sst s25  }
0xb5: {  	s5 =	sshll.u32 s26, $0x1;
	_ =	strace $0x8000004C;
	[dreg:$0x1] =	wrdreg $0xFFFFFFFF  }
0xb6: {  	s28 =	simm.s32 $_size_execute0_lowered;
	s3 =	sadd.s32 s3, s5;
	[dreg:$0x0] =	wrdreg $0x0  }
0xb7: {  	s5 =	sshll.u32 s28, $0x1;
	[dreg:$0x2] =	wrdreg s3  }
0xb8: {  	[dreg:$0x3] =	wrdreg s5  }
0xb9: {  	[dreg:$0x4] =	wrdreg $0xC0  }
0xba: {  	_ =	task [dreg:s22], $0x5FFFF  }
0xbb: {  	[dreg:$0x1] =	wrdreg $0xFFFFFFFF  }
0xbc: {  	[dreg:$0x0] =	wrdreg $0x60  }
0xbd: {  	[dreg:$0x2] =	wrdreg s24  }
0xbe: {  	[dreg:$0x3] =	wrdreg $0x91000  }
0xbf: {  	[dreg:$0x4] =	wrdreg $0xA  }
0xc0: {  	_ =	task.clear_ibuf [dreg:s22], $0x5FFFF;
	_ =	strace $0x9000004C  }
0xc1: {  	s29 =	simm.s32 $0xA;
	_ =	strace $0x8000004E  }
0xc2: {  	_ =	swait.ge [sflag:s29], $0x1  }
0xc3: {  	[sflag:s29] =	ssyncadd.s32 $0xFFFFFFFF  }
0xc4: {  	_ =	strace $0x9000004E  }
0xc5: {  	_ =	sfence  }
0xc6: {  	s30 =	sld [smem:$0x0];
	_ =	sdelay $0x2  }
0xc7: {  	s31 =	sshll.u32 s1, $0xD;
	s1 =	sshrl.u32 s1, $0x2  }
0xc8: {  	s4 =	sand.u32 $0x4000, s31;
	s1 =	sadd.s32 s1, s30  }
0xc9: {  	s0 =	sor.u32 s4, s0;
	s1 =	sshll.u32 s1, $0x11  }
0xca: {  	s0 =	sor.u32 s1, s0  }
0xcb: {  	s0 =	sadd.s32 $0x8F2B, s0  }
0xcc: {  	[sflag:s0] =	ssyncadd.remote.s32 $0x1  }
0xcd: {  	_ =	sfence.sel $0xFFFF  }
0xce: {  	[dreg:$0x0] =	wrdreg $0xFFFFFFFF;
	(pc) =	sbr.abs _section_cstart, $3  }
0xcf: {  	[dreg:$0x1] =	wrdreg $0xFFFFFFFF  }
0xd0: {  	_ =	task.clear_ibuf [dreg:s22], $0x2FFFF;
	_ =	strace $0x9FFFFFFF  }
0xd1: {  	(tm) =	ssettm $0x7FFFFFFF  }
tec
execute0_lowered:
.L_overlay_start_1:
0x0: {  	(tag) =	ssettag $0x1  }
0x1: {  	s6 =	rddreg [dreg:$0x0]  }
0x2: {  	s1 =	rddreg [dreg:$0x1];
	s2 =	srdreg.scid  }
0x3: {  	s0 =	rddreg [dreg:$0x2];
	s3 =	simm.s32 $0x0;
	s7 =	sand.u32 $0x1, s2  }
0x4: {  	s14 =	simm.s32 $0x80;
	s2 =	stileid.u32;
	s5 =	smul.u32 $0x5200, s7  }
0x5: {  	s15 =	simm.s32 $0x5100;
	s16 =	simm.s32 $0x7100;
	s8 =	smul.u32 $0x500, s2  }
0x6: {  	s17 =	simm.s32 $0x1;
	s18 =	simm.s32 $0x2;
	s9 =	smul.u32 $0x13C0, s2  }
0x7: {  	[smem:$0x7FF] =	sst s3;
	s4 =	sadd.s32 $0x106E00, s6;
	s11 =	smul.u32 $0x13C00, s7  }
0x8: {  	s19 =	simm.s32 $0x0;
	_ =	strace $0x8000004D;
	s12 =	smul.u32 $0x520, s2  }
0x9: {  	s7 =	ssub.s32 $0x2, s7;
	s26 =	smul.u32 $0x27800, s2;
	s31 =	sshll.u32 s2, $0x6  }
0xa: {  	s28 =	sshrl.u32 s7, $0x1;
	s10 =	sadd.s32 s5, s6;
	s8 =	sadd.s32 s8, s6  }
0xb: {  	s5 =	sadd.s32 $0x7200, s6;
	s9 =	sadd.s32 s9, s11;
	s29 =	ssub.s32 s7, s28  }
0xc: {  	s30 =	sshrl.u32 s26, $0x2;
	s11 =	simm.s32 $0x2900;
	s9 =	sadd.s32 s9, s6  }
0xd: {  	s10 =	sadd.s32 s12, s10;
	s7 =	sadd.s32 $0x2200, s8;
	s13 =	sadd.s32 s30, s1  }
0xe: {  	s12 =	sor.u32 $0x1C03, s31;
	s6 =	sadd.s32 $0x91400, s10;
	s8 =	sadd.s32 $0x9B800, s9  }
0xf: {  	s9 =	smax.u32 s29, $0x1;
	s10 =	simm.s32 $0x3;
	s13 =	sshrl.u32 s13, $0x3  }
.LBB2_1:
0x10: {  	[tilespmem:s3], [sflag:$0x3] =	stream.linear.gather [hbm4b:s6+s3], $0x2900, $0x38;
	[tilespmem:$0x12F00] =	vst v63  }
0x11: {  	_ =	swait.ge [sflag:s10], $0x2900  }
0x12: {  	[sflag:s10] =	ssyncset.done $0x0  }
0x13: {  	[sflag:s10] =	ssyncadd.s32 $0xFFFFD700  }
0x14: {  	[tilespmem:s11], [sflag:$0x3] =	stream.linear.gather [hbm4b:s7+s3], $0x2800, $0x38;
	[tilespmem:$0x12F00] =	vst v63  }
0x15: {  	_ =	swait.ge [sflag:s10], $0x2800  }
0x16: {  	[sflag:s10] =	ssyncset.done $0x0  }
0x17: {  	[sflag:s10] =	ssyncadd.s32 $0xFFFFD800  }
0x18: {  	[spmem:s13], [sflag:s12] =	dma.local [hbm:s5], $0x13C0  }
0x19: {  	_ =	swait.ge [sflag:s10], $0x13C0  }
0x1a: {  	[sflag:s10] =	ssyncset.done $0x0  }
0x1b: {  	[sflag:s10] =	ssyncadd.s32 $0xFFFFEC40  }
0x1c: {  	s20 =	simm.s32 $0x0;
	[bflag:$0x0] =	sbarrier.arrive $0xFFFF  }
0x1d: {  	[tilespmem:s15], [sflag:$0x1] =	stream.indirect.gather [hbm4b:s4+s14], $0x40, s20, s14, $0xb8;
	[tilespmem:$0x12F00] =	vst v63  }
0x1e: {  	s29 =	simm.s32 $0x80  }
0x1f: {  	[tilespmem:s16], [sflag:$0x2] =	stream.indirect.gather [hbm4b:s4+s14], $0x40, s29, s14, $0xb8;
	[tilespmem:$0x12F00] =	vst v63  }
0x20: {  	_ =	swait.ge [sflag:s17], $0x2000  }
0x21: {  	[sflag:s17] =	ssyncset.done $0x0  }
0x22: {  	s30 =	simm.s32 $0x2900;
	[sflag:s17] =	ssyncadd.s32 $0xFFFFE000  }
0x23: {  	[spmem:s1] =	stream.indirect.scatter.add.f32 [tilespmem:s15], [sflag:$0x3], $0x40, s30, s14, $0xb8;
	[tilespmem:$0x12F00] =	vst v63  }
0x24: {  	_ =	swait.ge [sflag:s10], $0x2000  }
0x25: {  	[sflag:s10] =	ssyncset.done $0x0  }
0x26: {  	[sflag:s10] =	ssyncadd.s32 $0xFFFFE000  }
0x27: {  	_ =	swait.ge [sflag:s18], $0x2000  }
0x28: {  	[sflag:s18] =	ssyncset.done $0x0  }
0x29: {  	s31 =	simm.s32 $0x2980;
	[sflag:s18] =	ssyncadd.s32 $0xFFFFE000  }
0x2a: {  	[spmem:s1] =	stream.indirect.scatter.add.f32 [tilespmem:s16], [sflag:$0x3], $0x40, s31, s14, $0xb8;
	[tilespmem:$0x12F00] =	vst v63  }
0x2b: {  	_ =	swait.ge [sflag:s10], $0x2000  }
0x2c: {  	s21 =	simm.s32 $0x800;
	s20 =	simm.s32 $0x400;
	[sflag:s10] =	ssyncset.done $0x0  }
.LBB2_2:
0x2d: {  	s22 =	sshra.s32 s20, $0x2  }
0x2e: {  	[sflag:s10] =	ssyncadd.s32 $0xFFFFE000;
	s20 =	smov.u32 s21;
	s23 =	sadd.s32 $0x400, s21  }
0x2f: {  	[tilespmem:s15], [sflag:$0x1] =	stream.indirect.gather [hbm4b:s4+s14], $0x40, s22, s14, $0xb8;
	[tilespmem:$0x12F00] =	vst v63  }
0x30: {  	p0 =	sne.s32 s21, $0x9C00;
	s21 =	sadd.s32 $0x80, s22  }
0x31: {  	[tilespmem:s16], [sflag:$0x2] =	stream.indirect.gather [hbm4b:s4+s14], $0x40, s21, s14, $0xb8;
	[tilespmem:$0x12F00] =	vst v63  }
0x32: {  	_ =	swait.ge [sflag:s17], $0x2000  }
0x33: {  	[sflag:s17] =	ssyncset.done $0x0  }
0x34: {  	s21 =	sadd.s32 $0x2900, s22;
	[sflag:s17] =	ssyncadd.s32 $0xFFFFE000  }
0x35: {  	[spmem:s1] =	stream.indirect.scatter.add.f32 [tilespmem:s15], [sflag:$0x3], $0x40, s21, s14, $0xb8;
	[tilespmem:$0x12F00] =	vst v63  }
0x36: {  	_ =	swait.ge [sflag:s10], $0x2000  }
0x37: {  	[sflag:s10] =	ssyncset.done $0x0  }
0x38: {  	[sflag:s10] =	ssyncadd.s32 $0xFFFFE000  }
0x39: {  	_ =	swait.ge [sflag:s18], $0x2000  }
.Ltmp0:
0x3a: {  	[sflag:s18] =	ssyncset.done $0x0;
	(pc) =	sbr.rel @p0 .LBB2_2-.Ltmp0, $4  }
0x3b: {  	s21 =	sadd.s32 $0x2980, s22;
	[sflag:s18] =	ssyncadd.s32 $0xFFFFE000  }
0x3c: {  	[spmem:s1] =	stream.indirect.scatter.add.f32 [tilespmem:s16], [sflag:$0x3], $0x40, s21, s14, $0xb8;
	[tilespmem:$0x12F00] =	vst v63  }
0x3d: {  	_ =	swait.ge [sflag:s10], $0x2000  }
0x3e: {  	s21 =	smov.u32 s23;
	[sflag:s10] =	ssyncset.done $0x0  }
0x3f: {  	s20 =	sshra.s32 s20, $0x2;
	[sflag:s10] =	ssyncadd.s32 $0xFFFFE000  }
0x40: {  	[tilespmem:s15], [sflag:$0x1] =	stream.indirect.gather [hbm4b:s4+s14], $0x40, s20, s14, $0xb8;
	[tilespmem:$0x12F00] =	vst v63  }
0x41: {  	s21 =	sadd.s32 $0x80, s20  }
0x42: {  	[tilespmem:s16], [sflag:$0x2] =	stream.indirect.gather [hbm4b:s4+s14], $0x40, s21, s14, $0xb8;
	[tilespmem:$0x12F00] =	vst v63  }
0x43: {  	_ =	swait.ge [sflag:s17], $0x2000  }
0x44: {  	[sflag:s17] =	ssyncset.done $0x0  }
0x45: {  	s31 =	sadd.s32 $0x2900, s20;
	[sflag:s17] =	ssyncadd.s32 $0xFFFFE000  }
0x46: {  	[spmem:s1] =	stream.indirect.scatter.add.f32 [tilespmem:s15], [sflag:$0x3], $0x40, s31, s14, $0xb8;
	[tilespmem:$0x12F00] =	vst v63  }
0x47: {  	_ =	swait.ge [sflag:s10], $0x2000  }
0x48: {  	[sflag:s10] =	ssyncset.done $0x0  }
0x49: {  	[sflag:s10] =	ssyncadd.s32 $0xFFFFE000  }
0x4a: {  	_ =	swait.ge [sflag:s18], $0x2000  }
0x4b: {  	[sflag:s18] =	ssyncset.done $0x0  }
0x4c: {  	s20 =	sadd.s32 $0x2980, s20;
	[sflag:s18] =	ssyncadd.s32 $0xFFFFE000  }
0x4d: {  	[spmem:s1] =	stream.indirect.scatter.add.f32 [tilespmem:s16], [sflag:$0x3], $0x40, s20, s14, $0xb8;
	[tilespmem:$0x12F00] =	vst v63  }
0x4e: {  	_ =	swait.ge [sflag:s10], $0x2000  }
0x4f: {  	s19 =	sadd.s32 $0x1, s19;
	[sflag:s10] =	ssyncset.done $0x0  }
0x50: {  	p0 =	sne.s32 s19, s9;
	[sflag:s10] =	ssyncadd.s32 $0xFFFFE000  }
.Ltmp1:
0x51: {  	[bflag:$0x0] =	sbarrier.arrive $0xFFFF;
	(pc) =	sbr.rel @p0 .LBB2_1-.Ltmp1, $4  }
0x52: {  	[hbm:s8], [sflag:s12] =	dma.local [spmem:s13], $0x13C0  }
0x53: {  	_ =	swait.ge [sflag:s10], $0x13C0  }
0x54: {  	[sflag:s10] =	ssyncset.done $0x0  }
0x55: {  	[sflag:s10] =	ssyncadd.s32 $0xFFFFEC40  }
0x56: {  	_ =	sfence.sel $0x180000  }
0x57: {  	[bflag:$0x0] =	sbarrier.arrive $0xFFFF  }
0x58: {  	p0 =	sne.s32 s2, $0x0;
	_ =	strace $0x9000004D  }
0x59: {  	s0 =	sadd.s32 @!p0 $0x100000, s0;
	[bflag:$0x2] =	sbarrier.arrive $0xFFFF  }
0x5a: {  	[sflag:s0] =	ssyncadd.tile.s32 @!p0 $0x1;
	_ =	shalt  }
.Lfunc_end2:
_tile_overlayer_lowered:
.L_overlay_start_2:
0x5b: {  	(tag) =	ssettag $0x2  }
0x5c: {  	s0 =	rddreg [dreg:$0x0];
	s2 =	stileid.u32  }
0x5d: {  	s1 =	rddreg [dreg:$0x1];
	p0 =	sne.s32 s2, $0x0  }
0x5e: {  	s3 =	rddreg [dreg:$0x2];
	[bflag:$0x3] =	sbarrier.arrive $0xFFFF;
	s2 =	simm.s32 @!p0 $0x1C03  }
0x5f: {  	[timem:s3], [sflag:s2] =	dma.local @!p0 [hbm:s0], s1  }
0x60: {  	s0 =	simm.s32 @!p0 $0x3  }
0x61: {  	_ =	swait.ge @!p0 [sflag:s0], s1  }
0x62: {  	s1 =	ssub.s32 @!p0 $0x0, s1;
	[sflag:s0] =	ssyncset.done @!p0 $0x0  }
0x63: {  	[sflag:s0] =	ssyncadd.s32 @!p0 s1  }
0x64: {  	[bflag:$0x3] =	sbarrier.arrive $0xFFFF  }
0x65: {  	_ =	shalt  }

// kernel: kernel.18.cloned.1.call-start
scs
__scs_entry_jumppad:
0x0: {  	(pc) =	sbr.rel $0x88, $3  }
0x1: {  	(tag) =	ssettag $0x0;
	lr =	simm.s32 $0x1  }
0x2: {  	[smem:$0x3F96] =	sst lr;
	_ =	strace $0xD0000000  }
0x3: {  	_ = 	snop  }
0x4: {  	_ = 	snop  }
0x5: {  	_ = 	snop  }
0x6: {  	_ = 	snop  }
0x7: {  	_ = 	snop  }
__scs_overlays_trampoline_lowered:
0x8: {  	[smem:$0x3FA5] =	sst s0  }
0x9: {  	[smem:$0x3FA6] =	sst s1  }
0xa: {  	[smem:$0x3FA7] =	sst s2  }
0xb: {  	[smem:$0x3FA8] =	sst s3  }
0xc: {  	[smem:$0x3FA9] =	sst s4  }
0xd: {  	[smem:$0x3FAA] =	sst s5  }
0xe: {  	[smem:$0x3FAB] =	sst s6  }
0xf: {  	[smem:$0x3FAC] =	sst s7  }
0x10: {  	[smem:$0x3FAD] =	sst s8  }
0x11: {  	[smem:$0x3FAE] =	sst s9;
	s0 =	simm.s32 @!p0 $0x0  }
0x12: {  	s1 =	sld [smem:$0x3F94];
	s0 =	simm.s32 @p0 $0x1  }
0x13: {  	[smem:$0x3FAF] =	sst s0;
	s0 =	simm.s32 @!p1 $0x0  }
0x14: {  	s2 =	sld [smem:$0x3F93];
	s0 =	simm.s32 @p1 $0x1  }
0x15: {  	[smem:$0x3FB0] =	sst s0;
	s0 =	simm.s32 @!p2 $0x0  }
0x16: {  	s3 =	sld [smem:$0x3FDB];
	s0 =	simm.s32 @p2 $0x1  }
0x17: {  	s4 =	simm.s32 $0x1BF5;
	[smem:$0x3FB2] =	sst s0  }
0x18: {  	s0 =	sld [smem:$0x3F95];
	_ =	swait.ge [sflag:s4], $0x0  }
0x19: {  	s7 =	sld [smem:$0x3F96]  }
0x1a: {  	s8 =	sadd.s32 $0xFFFFE003, lr  }
0x1b: {  	s9 =	sadd.s32 $0xFFFFFEF7, lr;
	s5 =	simm.s32 $0xFFFFFFFF;
	p2 =	slt.u32 s8, $0xFFFFF086  }
0x1c: {  	p1 =	slt.u32 s9, $0xF7A;
	s5 =	simm.s32 @!p2 $0x0  }
0x1d: {  	s5 =	simm.s32 @p1 $0x1;
	p0 =	seq.s32 s7, s2  }
0x1e: {  	s7 =	smul.u32 @!p0 $0xF7A, s2;
	p2 =	seq.s32 @!p0 s5, $0x0  }
0x1f: {  	s9 =	smul.u32 $0xF7A, s1;
	s8 =	simm.s32 @!p0 $0x1BF5;
	p2 =	por !p2, p0  }
0x20: {  	[sflag:s8] =	ssyncset.s32 @!p0 $0xFFFFF086;
	s6 =	sadd.s32 @!p0 s3, s7;
	s7 =	simm.s32 @!p0 $0x108  }
0x21: {  	s3 =	sadd.s32 s3, s9;
	s6 =	sadd.s32 @!p0 $0x88, s6;
	s7 =	simm.s32 @p2 $0x1082  }
0x22: {  	[simem:s7], [sflag:s8] =	dma.local @!p0 [hbm:s6], $0xF7A  }
0x23: {  	s9 =	sor.u32 $0xD0000000, s2;
	s6 =	simm.s32 $0x108;
	_ =	swait.ge @!p0 [sflag:s8], $0x0  }
0x24: {  	s3 =	sadd.s32 $0x88, s3;
	s6 =	simm.s32 @!p1 $0x1082;
	[sflag:s4] =	ssyncset.s32 $0xFFFFF086  }
0x25: {  	[simem:s6], [sflag:s4] =	dma.local [hbm:s3], $0xF7A  }
0x26: {  	[smem:$0x3F96] =	sst s1;
	(tag) =	ssettag s2;
	_ =	strace s9  }
0x27: {  	s1 =	sld [smem:$0x3FA6]  }
0x28: {  	s2 =	sld [smem:$0x3FA7]  }
0x29: {  	s4 =	sld [smem:$0x3FA9]  }
0x2a: {  	p0 =	seq.s32 s5, $0x0;
	s5 =	sld [smem:$0x3FAA]  }
0x2b: {  	s6 =	sld [smem:$0x3FAB]  }
0x2c: {  	s7 =	sld [smem:$0x3FAC]  }
0x2d: {  	s3 =	simm.s32 $0x108;
	s8 =	sld [smem:$0x3FAD]  }
0x2e: {  	s3 =	simm.s32 @!p0 $0x1082;
	s9 =	sld [smem:$0x3FAE]  }
0x2f: {  	lr =	sadd.s32 s0, s3;
	s0 =	sld [smem:$0x3FA5]  }
0x30: {  	s3 =	sld [smem:$0x3FA8]  }
0x31: {  	[smem:$0x3FB1] =	sst s10  }
0x32: {  	s10 =	sld [smem:$0x3FAF];
	_ =	sdelay $0x3  }
0x33: {  	p0 =	seq.s32 s10, $0x1;
	s10 =	sld [smem:$0x3FB1];
	_ =	sdelay $0x3  }
0x34: {  	[smem:$0x3FB1] =	sst s10  }
0x35: {  	s10 =	sld [smem:$0x3FB0];
	_ =	sdelay $0x3  }
0x36: {  	p1 =	seq.s32 s10, $0x1;
	s10 =	sld [smem:$0x3FB1];
	_ =	sdelay $0x3  }
0x37: {  	[smem:$0x3FB1] =	sst s10  }
0x38: {  	s10 =	sld [smem:$0x3FB2]  }
0x39: {  	_ = 	snop;
	(pc) =	sbr.ind lr, $3  }
0x3a: {  	_ = 	snop  }
0x3b: {  	_ = 	snop  }
0x3c: {  	p2 =	seq.s32 s10, $0x1;
	s10 =	sld [smem:$0x3FB1]  }
0x3d: {  	_ =	shalt  }
0x3e: {  	_ =	shalt  }
0x3f: {  	_ =	shalt  }
0x40: {  	_ =	shalt  }
0x41: {  	_ =	shalt  }
0x42: {  	_ =	shalt  }
0x43: {  	_ =	shalt  }
0x44: {  	_ =	shalt  }
0x45: {  	_ =	shalt  }
0x46: {  	_ =	shalt  }
0x47: {  	_ =	shalt  }
0x48: {  	_ =	shalt  }
0x49: {  	_ =	shalt  }
0x4a: {  	_ =	shalt  }
0x4b: {  	_ =	shalt  }
0x4c: {  	_ =	shalt  }
0x4d: {  	_ =	shalt  }
0x4e: {  	_ =	shalt  }
0x4f: {  	_ =	shalt  }
0x50: {  	_ =	shalt  }
0x51: {  	_ =	shalt  }
0x52: {  	_ =	shalt  }
0x53: {  	_ =	shalt  }
0x54: {  	_ =	shalt  }
0x55: {  	_ =	shalt  }
0x56: {  	_ =	shalt  }
0x57: {  	_ =	shalt  }
0x58: {  	_ =	shalt  }
0x59: {  	_ =	shalt  }
0x5a: {  	_ =	shalt  }
0x5b: {  	_ =	shalt  }
0x5c: {  	_ =	shalt  }
0x5d: {  	_ =	shalt  }
0x5e: {  	_ =	shalt  }
0x5f: {  	_ =	shalt  }
0x60: {  	_ =	shalt  }
0x61: {  	_ =	shalt  }
0x62: {  	_ =	shalt  }
0x63: {  	_ =	shalt  }
0x64: {  	_ =	shalt  }
0x65: {  	_ =	shalt  }
0x66: {  	_ =	shalt  }
0x67: {  	_ =	shalt  }
0x68: {  	_ =	shalt  }
0x69: {  	_ =	shalt  }
0x6a: {  	_ =	shalt  }
0x6b: {  	_ =	shalt  }
0x6c: {  	_ =	shalt  }
0x6d: {  	_ =	shalt  }
0x6e: {  	_ =	shalt  }
0x6f: {  	_ =	shalt  }
0x70: {  	_ =	shalt  }
0x71: {  	_ =	shalt  }
0x72: {  	_ =	shalt  }
0x73: {  	_ =	shalt  }
0x74: {  	_ =	shalt  }
0x75: {  	_ =	shalt  }
0x76: {  	_ =	shalt  }
0x77: {  	_ =	shalt  }
0x78: {  	_ =	shalt  }
0x79: {  	_ =	shalt  }
0x7a: {  	_ =	shalt  }
0x7b: {  	_ =	shalt  }
0x7c: {  	_ =	shalt  }
0x7d: {  	_ =	shalt  }
0x7e: {  	_ =	shalt  }
0x7f: {  	_ =	shalt  }
0x80: {  	_ =	shalt  }
0x81: {  	_ =	shalt  }
0x82: {  	_ =	shalt  }
0x83: {  	_ =	shalt  }
0x84: {  	_ =	shalt  }
0x85: {  	_ =	shalt  }
0x86: {  	_ =	shalt  }
0x87: {  	_ =	shalt  }
.Lfunc_end0:
.L_simem_size_0:
called_computation.3_lowered:
.L_overlay_start_0:
0x88: {  	s2 =	sld [smem:$0x3FD9]  }
0x89: {  	s3 =	sld [smem:$0x3FFE];
	_ =	sdelay $0x1  }
0x8a: {  	s1 =	srdreg.scid  }
0x8b: {  	s0 =	sand.u32 $0x1, s1  }
0x8c: {  	s16 =	sshll.u32 s0, $0xA;
	s2 =	sadd.s32 s3, s2  }
0x8d: {  	s2 =	sadd.s32 s2, s16  }
0x8e: {  	[smem:$0x3FBD] =	sst s2  }
0x8f: {  	_ = 	snop  }
0x90: {  	(tm) =	ssettm $0x1  }
0x91: {  	s17 =	sld [smem:$0x3FFB];
	_ =	sdelay $0x3  }
0x92: {  	_ =	strace s17  }
0x93: {  	s2 =	sld [smem:$0x3FFC];
	_ =	sdelay $0x3  }
0x94: {  	_ =	strace s2  }
0x95: {  	s2 =	sld [smem:$0x3FFD];
	_ =	sdelay $0x3  }
0x96: {  	_ =	strace s2  }
0x97: {  	_ =	strace $0x8FFFFFFF  }
0x98: {  	s18 =	sld [smem:$0x3FDB];
	_ =	sdelay $0x1  }
0x99: {  	s19 =	simm.s32 $_scs_section_size  }
0x9a: {  	s4 =	simm.s32 $_size__tile_overlayer_lowered;
	s5 =	simm.s32 $_tile_overlayer_lowered  }
0x9b: {  	s22 =	simm.s32 $0x1BFF;
	s21 =	sshll.u32 s5, $0x1;
	s2 =	sadd.s32 s19, s18  }
0x9c: {  	s6 =	simm.s32 $0x0;
	s20 =	sshll.u32 s4, $0x1;
	s4 =	sadd.s32 s21, s2  }
0x9d: {  	[timem:s6], [sflag:s22] =	dma.local [hbm:s4], s20  }
0x9e: {  	_ =	swait.ge [sflag:s22], s20  }
0x9f: {  	s3 =	ssub.s32 $0x0, s20;
	[sflag:s22] =	ssyncset.done $0x0  }
0xa0: {  	[sflag:s22] =	ssyncadd.s32 s3;
	_ =	sdelay $0x1  }
0xa1: {  	s23 =	simm.s32 $0x1B8B  }
0xa2: {  	_ =	swait.ge [sflag:s23], $0x1  }
0xa3: {  	[sflag:s23] =	ssyncset.done $0x0  }
0xa4: {  	s25 =	simm.s32 $0x1B8E;
	s24 =	sld [smem:$0x3FFE];
	[sflag:s23] =	ssyncadd.s32 $0xFFFFFFFF  }
0xa5: {  	s26 =	simm.s32 $execute0_lowered;
	[smem:$0x3FD2] =	sst s25  }
0xa6: {  	s4 =	sshll.u32 s26, $0x1;
	_ =	strace $0x8000004F;
	[dreg:$0x1] =	wrdreg $0xFFFFFFFF  }
0xa7: {  	s28 =	simm.s32 $_size_execute0_lowered;
	s2 =	sadd.s32 s2, s4;
	[dreg:$0x0] =	wrdreg $0x0  }
0xa8: {  	s4 =	sshll.u32 s28, $0x1;
	[dreg:$0x2] =	wrdreg s2  }
0xa9: {  	[dreg:$0x3] =	wrdreg s4  }
0xaa: {  	[dreg:$0x4] =	wrdreg $0xC0  }
0xab: {  	_ =	task [dreg:s6], $0x5FFFF  }
0xac: {  	[dreg:$0x1] =	wrdreg $0xFFFFFFFF  }
0xad: {  	[dreg:$0x0] =	wrdreg $0x60  }
0xae: {  	[dreg:$0x2] =	wrdreg s24  }
0xaf: {  	[dreg:$0x3] =	wrdreg $0x71000  }
0xb0: {  	[dreg:$0x4] =	wrdreg $0x9  }
0xb1: {  	_ =	task.clear_ibuf [dreg:s6], $0x5FFFF;
	_ =	strace $0x9000004F  }
0xb2: {  	s29 =	simm.s32 $0x9;
	_ =	strace $0x80000051  }
0xb3: {  	_ =	swait.ge [sflag:s29], $0x1  }
0xb4: {  	[sflag:s29] =	ssyncadd.s32 $0xFFFFFFFF  }
0xb5: {  	_ =	strace $0x90000051  }
0xb6: {  	_ =	sfence  }
0xb7: {  	s30 =	sld [smem:$0x0];
	_ =	sdelay $0x2  }
0xb8: {  	s31 =	sshll.u32 s1, $0xD;
	s1 =	sshrl.u32 s1, $0x2  }
0xb9: {  	s3 =	sand.u32 $0x4000, s31;
	s1 =	sadd.s32 s1, s30  }
0xba: {  	s0 =	sor.u32 s3, s0;
	s1 =	sshll.u32 s1, $0x11  }
0xbb: {  	s0 =	sor.u32 s1, s0  }
0xbc: {  	s0 =	sadd.s32 $0x8F2B, s0  }
0xbd: {  	[sflag:s0] =	ssyncadd.remote.s32 $0x1  }
0xbe: {  	_ =	sfence.sel $0xFFFF  }
0xbf: {  	[dreg:$0x0] =	wrdreg $0xFFFFFFFF;
	(pc) =	sbr.abs _section_cstart, $3  }
0xc0: {  	[dreg:$0x1] =	wrdreg $0xFFFFFFFF  }
0xc1: {  	_ =	task.clear_ibuf [dreg:s6], $0x2FFFF;
	_ =	strace $0x9FFFFFFF  }
0xc2: {  	(tm) =	ssettm $0x7FFFFFFF  }
0xc3: {  	_ =	shalt  }
tec
execute0_lowered:
.L_overlay_start_1:
0x0: {  	(tag) =	ssettag $0x1  }
0x1: {  	s6 =	rddreg [dreg:$0x0]  }
0x2: {  	s1 =	rddreg [dreg:$0x1];
	s2 =	srdreg.scid  }
0x3: {  	s0 =	rddreg [dreg:$0x2];
	s3 =	simm.s32 $0x0;
	s7 =	sand.u32 $0x1, s2  }
0x4: {  	s14 =	simm.s32 $0x80;
	s2 =	stileid.u32;
	s5 =	smul.u32 $0x5200, s7  }
0x5: {  	s15 =	simm.s32 $0x5100;
	s16 =	simm.s32 $0x6100;
	s8 =	smul.u32 $0x500, s2  }
0x6: {  	s17 =	simm.s32 $0x1;
	s18 =	simm.s32 $0x2;
	s9 =	smul.u32 $0x9E0, s2  }
0x7: {  	s19 =	simm.s32 $0x0;
	[smem:$0x7FF] =	sst s3;
	s11 =	smul.u32 $0x9E00, s7  }
0x8: {  	s4 =	sadd.s32 $0x1BA00, s6;
	_ =	strace $0x80000050;
	s12 =	smul.u32 $0x520, s2  }
0x9: {  	s7 =	ssub.s32 $0x2, s7;
	s26 =	smul.u32 $0x13C00, s2;
	s31 =	sshll.u32 s2, $0x6  }
0xa: {  	s28 =	sshrl.u32 s7, $0x1;
	s10 =	sadd.s32 s5, s6;
	s8 =	sadd.s32 s8, s6  }
0xb: {  	s5 =	sadd.s32 $0x7200, s6;
	s9 =	sadd.s32 s9, s11;
	s29 =	ssub.s32 s7, s28  }
0xc: {  	s30 =	sshrl.u32 s26, $0x2;
	s11 =	simm.s32 $0x2900;
	s9 =	sadd.s32 s9, s6  }
0xd: {  	s10 =	sadd.s32 s12, s10;
	s7 =	sadd.s32 $0x2200, s8;
	s13 =	sadd.s32 s30, s1  }
0xe: {  	s12 =	sor.u32 $0x1C03, s31;
	s6 =	sadd.s32 $0x11600, s10;
	s8 =	sadd.s32 $0x2F400, s9  }
0xf: {  	s9 =	smax.u32 s29, $0x1;
	s10 =	simm.s32 $0x3;
	s13 =	sshrl.u32 s13, $0x3  }
.LBB2_1:
0x10: {  	[tilespmem:s3], [sflag:$0x3] =	stream.linear.gather [hbm4b:s6+s3], $0x2900, $0x38;
	[tilespmem:$0xC000] =	vst v63  }
0x11: {  	_ =	swait.ge [sflag:s10], $0x2900  }
0x12: {  	[sflag:s10] =	ssyncset.done $0x0  }
0x13: {  	[sflag:s10] =	ssyncadd.s32 $0xFFFFD700  }
0x14: {  	[tilespmem:s11], [sflag:$0x3] =	stream.linear.gather [hbm4b:s7+s3], $0x2800, $0x38;
	[tilespmem:$0xC000] =	vst v63  }
0x15: {  	_ =	swait.ge [sflag:s10], $0x2800  }
0x16: {  	[sflag:s10] =	ssyncset.done $0x0  }
0x17: {  	[sflag:s10] =	ssyncadd.s32 $0xFFFFD800  }
0x18: {  	[spmem:s13], [sflag:s12] =	dma.local [hbm:s5], $0x9E0  }
0x19: {  	_ =	swait.ge [sflag:s10], $0x9E0  }
0x1a: {  	[sflag:s10] =	ssyncset.done $0x0  }
0x1b: {  	[sflag:s10] =	ssyncadd.s32 $0xFFFFF620  }
0x1c: {  	s20 =	simm.s32 $0x0;
	[bflag:$0x0] =	sbarrier.arrive $0xFFFF  }
0x1d: {  	[tilespmem:s15], [sflag:$0x1] =	stream.indirect.gather [hbm4b:s4+s14], $0x20, s20, s14, $0xb8;
	[tilespmem:$0xC000] =	vst v63  }
0x1e: {  	s29 =	simm.s32 $0x80  }
0x1f: {  	[tilespmem:s16], [sflag:$0x2] =	stream.indirect.gather [hbm4b:s4+s14], $0x20, s29, s14, $0xb8;
	[tilespmem:$0xC000] =	vst v63  }
0x20: {  	_ =	swait.ge [sflag:s17], $0x1000  }
0x21: {  	[sflag:s17] =	ssyncset.done $0x0  }
0x22: {  	s30 =	simm.s32 $0x2900;
	[sflag:s17] =	ssyncadd.s32 $0xFFFFF000  }
0x23: {  	[spmem:s1] =	stream.indirect.scatter.add.f32 [tilespmem:s15], [sflag:$0x3], $0x20, s30, s14, $0xb8;
	[tilespmem:$0xC000] =	vst v63  }
0x24: {  	_ =	swait.ge [sflag:s10], $0x1000  }
0x25: {  	[sflag:s10] =	ssyncset.done $0x0  }
0x26: {  	[sflag:s10] =	ssyncadd.s32 $0xFFFFF000  }
0x27: {  	_ =	swait.ge [sflag:s18], $0x1000  }
0x28: {  	[sflag:s18] =	ssyncset.done $0x0  }
0x29: {  	s31 =	simm.s32 $0x2980;
	[sflag:s18] =	ssyncadd.s32 $0xFFFFF000  }
0x2a: {  	[spmem:s1] =	stream.indirect.scatter.add.f32 [tilespmem:s16], [sflag:$0x3], $0x20, s31, s14, $0xb8;
	[tilespmem:$0xC000] =	vst v63  }
0x2b: {  	_ =	swait.ge [sflag:s10], $0x1000  }
0x2c: {  	s21 =	simm.s32 $0x800;
	s20 =	simm.s32 $0x400;
	[sflag:s10] =	ssyncset.done $0x0  }
.LBB2_2:
0x2d: {  	s22 =	sshra.s32 s20, $0x2  }
0x2e: {  	[sflag:s10] =	ssyncadd.s32 $0xFFFFF000;
	s20 =	smov.u32 s21;
	s23 =	sadd.s32 $0x400, s21  }
0x2f: {  	[tilespmem:s15], [sflag:$0x1] =	stream.indirect.gather [hbm4b:s4+s14], $0x20, s22, s14, $0xb8;
	[tilespmem:$0xC000] =	vst v63  }
0x30: {  	p0 =	sne.s32 s21, $0x9C00;
	s21 =	sadd.s32 $0x80, s22  }
0x31: {  	[tilespmem:s16], [sflag:$0x2] =	stream.indirect.gather [hbm4b:s4+s14], $0x20, s21, s14, $0xb8;
	[tilespmem:$0xC000] =	vst v63  }
0x32: {  	_ =	swait.ge [sflag:s17], $0x1000  }
0x33: {  	[sflag:s17] =	ssyncset.done $0x0  }
0x34: {  	s21 =	sadd.s32 $0x2900, s22;
	[sflag:s17] =	ssyncadd.s32 $0xFFFFF000  }
0x35: {  	[spmem:s1] =	stream.indirect.scatter.add.f32 [tilespmem:s15], [sflag:$0x3], $0x20, s21, s14, $0xb8;
	[tilespmem:$0xC000] =	vst v63  }
0x36: {  	_ =	swait.ge [sflag:s10], $0x1000  }
0x37: {  	[sflag:s10] =	ssyncset.done $0x0  }
0x38: {  	[sflag:s10] =	ssyncadd.s32 $0xFFFFF000  }
0x39: {  	_ =	swait.ge [sflag:s18], $0x1000  }
.Ltmp0:
0x3a: {  	[sflag:s18] =	ssyncset.done $0x0;
	(pc) =	sbr.rel @p0 .LBB2_2-.Ltmp0, $4  }
0x3b: {  	s21 =	sadd.s32 $0x2980, s22;
	[sflag:s18] =	ssyncadd.s32 $0xFFFFF000  }
0x3c: {  	[spmem:s1] =	stream.indirect.scatter.add.f32 [tilespmem:s16], [sflag:$0x3], $0x20, s21, s14, $0xb8;
	[tilespmem:$0xC000] =	vst v63  }
0x3d: {  	_ =	swait.ge [sflag:s10], $0x1000  }
0x3e: {  	s21 =	smov.u32 s23;
	[sflag:s10] =	ssyncset.done $0x0  }
0x3f: {  	s20 =	sshra.s32 s20, $0x2;
	[sflag:s10] =	ssyncadd.s32 $0xFFFFF000  }
0x40: {  	[tilespmem:s15], [sflag:$0x1] =	stream.indirect.gather [hbm4b:s4+s14], $0x20, s20, s14, $0xb8;
	[tilespmem:$0xC000] =	vst v63  }
0x41: {  	s21 =	sadd.s32 $0x80, s20  }
0x42: {  	[tilespmem:s16], [sflag:$0x2] =	stream.indirect.gather [hbm4b:s4+s14], $0x20, s21, s14, $0xb8;
	[tilespmem:$0xC000] =	vst v63  }
0x43: {  	_ =	swait.ge [sflag:s17], $0x1000  }
0x44: {  	[sflag:s17] =	ssyncset.done $0x0  }
0x45: {  	s31 =	sadd.s32 $0x2900, s20;
	[sflag:s17] =	ssyncadd.s32 $0xFFFFF000  }
0x46: {  	[spmem:s1] =	stream.indirect.scatter.add.f32 [tilespmem:s15], [sflag:$0x3], $0x20, s31, s14, $0xb8;
	[tilespmem:$0xC000] =	vst v63  }
0x47: {  	_ =	swait.ge [sflag:s10], $0x1000  }
0x48: {  	[sflag:s10] =	ssyncset.done $0x0  }
0x49: {  	[sflag:s10] =	ssyncadd.s32 $0xFFFFF000  }
0x4a: {  	_ =	swait.ge [sflag:s18], $0x1000  }
0x4b: {  	[sflag:s18] =	ssyncset.done $0x0  }
0x4c: {  	s20 =	sadd.s32 $0x2980, s20;
	[sflag:s18] =	ssyncadd.s32 $0xFFFFF000  }
0x4d: {  	[spmem:s1] =	stream.indirect.scatter.add.f32 [tilespmem:s16], [sflag:$0x3], $0x20, s20, s14, $0xb8;
	[tilespmem:$0xC000] =	vst v63  }
0x4e: {  	_ =	swait.ge [sflag:s10], $0x1000  }
0x4f: {  	s19 =	sadd.s32 $0x1, s19;
	[sflag:s10] =	ssyncset.done $0x0  }
0x50: {  	p0 =	sne.s32 s19, s9;
	[sflag:s10] =	ssyncadd.s32 $0xFFFFF000  }
.Ltmp1:
0x51: {  	[bflag:$0x0] =	sbarrier.arrive $0xFFFF;
	(pc) =	sbr.rel @p0 .LBB2_1-.Ltmp1, $4  }
0x52: {  	[hbm:s8], [sflag:s12] =	dma.local [spmem:s13], $0x9E0  }
0x53: {  	_ =	swait.ge [sflag:s10], $0x9E0  }
0x54: {  	[sflag:s10] =	ssyncset.done $0x0  }
0x55: {  	[sflag:s10] =	ssyncadd.s32 $0xFFFFF620  }
0x56: {  	_ =	sfence.sel $0x180000  }
0x57: {  	[bflag:$0x0] =	sbarrier.arrive $0xFFFF  }
0x58: {  	p0 =	sne.s32 s2, $0x0;
	_ =	strace $0x90000050  }
0x59: {  	s0 =	sadd.s32 @!p0 $0x100000, s0;
	[bflag:$0x2] =	sbarrier.arrive $0xFFFF  }
0x5a: {  	[sflag:s0] =	ssyncadd.tile.s32 @!p0 $0x1;
	_ =	shalt  }
.Lfunc_end2:
_tile_overlayer_lowered:
.L_overlay_start_2:
0x5b: {  	(tag) =	ssettag $0x2  }
0x5c: {  	s0 =	rddreg [dreg:$0x0];
	s2 =	stileid.u32  }
0x5d: {  	s1 =	rddreg [dreg:$0x1];
	p0 =	sne.s32 s2, $0x0  }
0x5e: {  	s3 =	rddreg [dreg:$0x2];
	[bflag:$0x3] =	sbarrier.arrive $0xFFFF;
	s2 =	simm.s32 @!p0 $0x1C03  }
0x5f: {  	[timem:s3], [sflag:s2] =	dma.local @!p0 [hbm:s0], s1  }
0x60: {  	s0 =	simm.s32 @!p0 $0x3  }
0x61: {  	_ =	swait.ge @!p0 [sflag:s0], s1  }
0x62: {  	s1 =	ssub.s32 @!p0 $0x0, s1;
	[sflag:s0] =	ssyncset.done @!p0 $0x0  }
0x63: {  	[sflag:s0] =	ssyncadd.s32 @!p0 s1  }
0x64: {  	[bflag:$0x3] =	sbarrier.arrive $0xFFFF  }
0x65: {  	_ =	shalt  }

// kernel: kernel.9.cloned.1.call-start
scs
__scs_entry_jumppad:
0x0: {  	(pc) =	sbr.rel $0x88, $3  }
0x1: {  	(tag) =	ssettag $0x0;
	lr =	simm.s32 $0x1  }
0x2: {  	[smem:$0x3F96] =	sst lr;
	_ =	strace $0xD0000000  }
0x3: {  	_ = 	snop  }
0x4: {  	_ = 	snop  }
0x5: {  	_ = 	snop  }
0x6: {  	_ = 	snop  }
0x7: {  	_ = 	snop  }
__scs_overlays_trampoline_lowered:
0x8: {  	[smem:$0x3FA5] =	sst s0  }
0x9: {  	[smem:$0x3FA6] =	sst s1  }
0xa: {  	[smem:$0x3FA7] =	sst s2  }
0xb: {  	[smem:$0x3FA8] =	sst s3  }
0xc: {  	[smem:$0x3FA9] =	sst s4  }
0xd: {  	[smem:$0x3FAA] =	sst s5  }
0xe: {  	[smem:$0x3FAB] =	sst s6  }
0xf: {  	[smem:$0x3FAC] =	sst s7  }
0x10: {  	[smem:$0x3FAD] =	sst s8  }
0x11: {  	[smem:$0x3FAE] =	sst s9;
	s0 =	simm.s32 @!p0 $0x0  }
0x12: {  	s1 =	sld [smem:$0x3F94];
	s0 =	simm.s32 @p0 $0x1  }
0x13: {  	[smem:$0x3FAF] =	sst s0;
	s0 =	simm.s32 @!p1 $0x0  }
0x14: {  	s2 =	sld [smem:$0x3F93];
	s0 =	simm.s32 @p1 $0x1  }
0x15: {  	[smem:$0x3FB0] =	sst s0;
	s0 =	simm.s32 @!p2 $0x0  }
0x16: {  	s3 =	sld [smem:$0x3FDB];
	s0 =	simm.s32 @p2 $0x1  }
0x17: {  	s4 =	simm.s32 $0x1BF5;
	[smem:$0x3FB2] =	sst s0  }
0x18: {  	s0 =	sld [smem:$0x3F95];
	_ =	swait.ge [sflag:s4], $0x0  }
0x19: {  	s7 =	sld [smem:$0x3F96]  }
0x1a: {  	s8 =	sadd.s32 $0xFFFFE003, lr  }
0x1b: {  	s9 =	sadd.s32 $0xFFFFFEF7, lr;
	s5 =	simm.s32 $0xFFFFFFFF;
	p2 =	slt.u32 s8, $0xFFFFF086  }
0x1c: {  	p1 =	slt.u32 s9, $0xF7A;
	s5 =	simm.s32 @!p2 $0x0  }
0x1d: {  	s5 =	simm.s32 @p1 $0x1;
	p0 =	seq.s32 s7, s2  }
0x1e: {  	s7 =	smul.u32 @!p0 $0xF7A, s2;
	p2 =	seq.s32 @!p0 s5, $0x0  }
0x1f: {  	s9 =	smul.u32 $0xF7A, s1;
	s8 =	simm.s32 @!p0 $0x1BF5;
	p2 =	por !p2, p0  }
0x20: {  	[sflag:s8] =	ssyncset.s32 @!p0 $0xFFFFF086;
	s6 =	sadd.s32 @!p0 s3, s7;
	s7 =	simm.s32 @!p0 $0x108  }
0x21: {  	s3 =	sadd.s32 s3, s9;
	s6 =	sadd.s32 @!p0 $0x88, s6;
	s7 =	simm.s32 @p2 $0x1082  }
0x22: {  	[simem:s7], [sflag:s8] =	dma.local @!p0 [hbm:s6], $0xF7A  }
0x23: {  	s9 =	sor.u32 $0xD0000000, s2;
	s6 =	simm.s32 $0x108;
	_ =	swait.ge @!p0 [sflag:s8], $0x0  }
0x24: {  	s3 =	sadd.s32 $0x88, s3;
	s6 =	simm.s32 @!p1 $0x1082;
	[sflag:s4] =	ssyncset.s32 $0xFFFFF086  }
0x25: {  	[simem:s6], [sflag:s4] =	dma.local [hbm:s3], $0xF7A  }
0x26: {  	[smem:$0x3F96] =	sst s1;
	(tag) =	ssettag s2;
	_ =	strace s9  }
0x27: {  	s1 =	sld [smem:$0x3FA6]  }
0x28: {  	s2 =	sld [smem:$0x3FA7]  }
0x29: {  	s4 =	sld [smem:$0x3FA9]  }
0x2a: {  	p0 =	seq.s32 s5, $0x0;
	s5 =	sld [smem:$0x3FAA]  }
0x2b: {  	s6 =	sld [smem:$0x3FAB]  }
0x2c: {  	s7 =	sld [smem:$0x3FAC]  }
0x2d: {  	s3 =	simm.s32 $0x108;
	s8 =	sld [smem:$0x3FAD]  }
0x2e: {  	s3 =	simm.s32 @!p0 $0x1082;
	s9 =	sld [smem:$0x3FAE]  }
0x2f: {  	lr =	sadd.s32 s0, s3;
	s0 =	sld [smem:$0x3FA5]  }
0x30: {  	s3 =	sld [smem:$0x3FA8]  }
0x31: {  	[smem:$0x3FB1] =	sst s10  }
0x32: {  	s10 =	sld [smem:$0x3FAF];
	_ =	sdelay $0x3  }
0x33: {  	p0 =	seq.s32 s10, $0x1;
	s10 =	sld [smem:$0x3FB1];
	_ =	sdelay $0x3  }
0x34: {  	[smem:$0x3FB1] =	sst s10  }
0x35: {  	s10 =	sld [smem:$0x3FB0];
	_ =	sdelay $0x3  }
0x36: {  	p1 =	seq.s32 s10, $0x1;
	s10 =	sld [smem:$0x3FB1];
	_ =	sdelay $0x3  }
0x37: {  	[smem:$0x3FB1] =	sst s10  }
0x38: {  	s10 =	sld [smem:$0x3FB2]  }
0x39: {  	_ = 	snop;
	(pc) =	sbr.ind lr, $3  }
0x3a: {  	_ = 	snop  }
0x3b: {  	_ = 	snop  }
0x3c: {  	p2 =	seq.s32 s10, $0x1;
	s10 =	sld [smem:$0x3FB1]  }
0x3d: {  	_ =	shalt  }
0x3e: {  	_ =	shalt  }
0x3f: {  	_ =	shalt  }
0x40: {  	_ =	shalt  }
0x41: {  	_ =	shalt  }
0x42: {  	_ =	shalt  }
0x43: {  	_ =	shalt  }
0x44: {  	_ =	shalt  }
0x45: {  	_ =	shalt  }
0x46: {  	_ =	shalt  }
0x47: {  	_ =	shalt  }
0x48: {  	_ =	shalt  }
0x49: {  	_ =	shalt  }
0x4a: {  	_ =	shalt  }
0x4b: {  	_ =	shalt  }
0x4c: {  	_ =	shalt  }
0x4d: {  	_ =	shalt  }
0x4e: {  	_ =	shalt  }
0x4f: {  	_ =	shalt  }
0x50: {  	_ =	shalt  }
0x51: {  	_ =	shalt  }
0x52: {  	_ =	shalt  }
0x53: {  	_ =	shalt  }
0x54: {  	_ =	shalt  }
0x55: {  	_ =	shalt  }
0x56: {  	_ =	shalt  }
0x57: {  	_ =	shalt  }
0x58: {  	_ =	shalt  }
0x59: {  	_ =	shalt  }
0x5a: {  	_ =	shalt  }
0x5b: {  	_ =	shalt  }
0x5c: {  	_ =	shalt  }
0x5d: {  	_ =	shalt  }
0x5e: {  	_ =	shalt  }
0x5f: {  	_ =	shalt  }
0x60: {  	_ =	shalt  }
0x61: {  	_ =	shalt  }
0x62: {  	_ =	shalt  }
0x63: {  	_ =	shalt  }
0x64: {  	_ =	shalt  }
0x65: {  	_ =	shalt  }
0x66: {  	_ =	shalt  }
0x67: {  	_ =	shalt  }
0x68: {  	_ =	shalt  }
0x69: {  	_ =	shalt  }
0x6a: {  	_ =	shalt  }
0x6b: {  	_ =	shalt  }
0x6c: {  	_ =	shalt  }
0x6d: {  	_ =	shalt  }
0x6e: {  	_ =	shalt  }
0x6f: {  	_ =	shalt  }
0x70: {  	_ =	shalt  }
0x71: {  	_ =	shalt  }
0x72: {  	_ =	shalt  }
0x73: {  	_ =	shalt  }
0x74: {  	_ =	shalt  }
0x75: {  	_ =	shalt  }
0x76: {  	_ =	shalt  }
0x77: {  	_ =	shalt  }
0x78: {  	_ =	shalt  }
0x79: {  	_ =	shalt  }
0x7a: {  	_ =	shalt  }
0x7b: {  	_ =	shalt  }
0x7c: {  	_ =	shalt  }
0x7d: {  	_ =	shalt  }
0x7e: {  	_ =	shalt  }
0x7f: {  	_ =	shalt  }
0x80: {  	_ =	shalt  }
0x81: {  	_ =	shalt  }
0x82: {  	_ =	shalt  }
0x83: {  	_ =	shalt  }
0x84: {  	_ =	shalt  }
0x85: {  	_ =	shalt  }
0x86: {  	_ =	shalt  }
0x87: {  	_ =	shalt  }
.Lfunc_end0:
.L_simem_size_0:
called_computation_lowered:
.L_overlay_start_0:
0x88: {  	s2 =	sld [smem:$0x3FD9]  }
0x89: {  	s3 =	sld [smem:$0x3FFE];
	_ =	sdelay $0x1  }
0x8a: {  	s1 =	srdreg.scid  }
0x8b: {  	s0 =	sand.u32 $0x1, s1  }
0x8c: {  	s17 =	sshll.u32 s0, $0xA;
	s2 =	sadd.s32 s3, s2  }
0x8d: {  	s2 =	sadd.s32 s2, s17  }
0x8e: {  	[smem:$0x3FBD] =	sst s2  }
0x8f: {  	_ = 	snop  }
0x90: {  	s2 =	sld [smem:$0x3FD0];
	(tm) =	ssettm $0x1  }
0x91: {  	s18 =	sld [smem:$0x3FFB];
	_ =	sdelay $0x3  }
0x92: {  	_ =	strace s18  }
0x93: {  	s3 =	sld [smem:$0x3FFC];
	_ =	sdelay $0x3  }
0x94: {  	_ =	strace s3  }
0x95: {  	s3 =	sld [smem:$0x3FFD];
	_ =	sdelay $0x3  }
0x96: {  	_ =	strace s3  }
0x97: {  	_ =	strace $0x8FFFFFFF  }
0x98: {  	s19 =	sld [smem:$0x3FDB];
	_ =	sdelay $0x1  }
0x99: {  	s4 =	simm.s32 $_scs_section_size  }
0x9a: {  	s5 =	simm.s32 $_size__tile_overlayer_lowered;
	s6 =	simm.s32 $_tile_overlayer_lowered  }
0x9b: {  	s22 =	simm.s32 $0x1BFF;
	s21 =	sshll.u32 s6, $0x1;
	s3 =	sadd.s32 s4, s19  }
0x9c: {  	s7 =	simm.s32 $0x0;
	s20 =	sshll.u32 s5, $0x1;
	s5 =	sadd.s32 s21, s3  }
0x9d: {  	[timem:s7], [sflag:s22] =	dma.local [hbm:s5], s20  }
0x9e: {  	_ =	swait.ge [sflag:s22], s20  }
0x9f: {  	s4 =	ssub.s32 $0x0, s20;
	[sflag:s22] =	ssyncset.done $0x0  }
0xa0: {  	[sflag:s22] =	ssyncadd.s32 s4;
	_ =	sdelay $0x1  }
0xa1: {  	s23 =	simm.s32 $0x1B8B  }
0xa2: {  	_ =	swait.ge [sflag:s23], $0x1  }
0xa3: {  	[sflag:s23] =	ssyncset.done $0x0  }
0xa4: {  	s25 =	simm.s32 $0x1B8E;
	s24 =	sld [smem:$0x3FFE];
	[sflag:s23] =	ssyncadd.s32 $0xFFFFFFFF  }
0xa5: {  	s26 =	simm.s32 $execute0_lowered;
	[smem:$0x3FD2] =	sst s25  }
0xa6: {  	s5 =	sshll.u32 s26, $0x1;
	_ =	strace $0x80000046;
	[dreg:$0x1] =	wrdreg $0xFFFFFFFF  }
0xa7: {  	s28 =	simm.s32 $_size_execute0_lowered;
	s3 =	sadd.s32 s3, s5;
	[dreg:$0x0] =	wrdreg $0x0  }
0xa8: {  	s5 =	sshll.u32 s28, $0x1;
	[dreg:$0x2] =	wrdreg s3  }
0xa9: {  	[dreg:$0x3] =	wrdreg s5  }
0xaa: {  	[dreg:$0x4] =	wrdreg $0xC0  }
0xab: {  	_ =	task [dreg:s7], $0x5FFFF  }
0xac: {  	[dreg:$0x1] =	wrdreg $0xFFFFFFFF  }
0xad: {  	[dreg:$0x0] =	wrdreg $0x60  }
0xae: {  	[dreg:$0x2] =	wrdreg s24  }
0xaf: {  	[dreg:$0x3] =	wrdreg s2  }
0xb0: {  	[dreg:$0x4] =	wrdreg $0x1C000  }
0xb1: {  	[dreg:$0x5] =	wrdreg $0x9  }
0xb2: {  	_ =	task.clear_ibuf [dreg:s7], $0x6FFFF;
	_ =	strace $0x90000046  }
0xb3: {  	s29 =	simm.s32 $0x9;
	_ =	strace $0x80000048  }
0xb4: {  	_ =	swait.ge [sflag:s29], $0x1  }
0xb5: {  	[sflag:s29] =	ssyncadd.s32 $0xFFFFFFFF  }
0xb6: {  	_ =	strace $0x90000048  }
0xb7: {  	_ =	sfence  }
0xb8: {  	s30 =	sld [smem:$0x0];
	_ =	sdelay $0x2  }
0xb9: {  	s31 =	sshll.u32 s1, $0xD;
	s1 =	sshrl.u32 s1, $0x2  }
0xba: {  	s3 =	sand.u32 $0x4000, s31;
	s1 =	sadd.s32 s1, s30  }
0xbb: {  	s0 =	sor.u32 s3, s0;
	s1 =	sshll.u32 s1, $0x11  }
0xbc: {  	s0 =	sor.u32 s1, s0  }
0xbd: {  	s0 =	sadd.s32 $0x8F2B, s0  }
0xbe: {  	[sflag:s0] =	ssyncadd.remote.s32 $0x1  }
0xbf: {  	_ =	sfence.sel $0xFFFF  }
0xc0: {  	[dreg:$0x0] =	wrdreg $0xFFFFFFFF;
	(pc) =	sbr.abs _section_cstart, $3  }
0xc1: {  	[dreg:$0x1] =	wrdreg $0xFFFFFFFF  }
0xc2: {  	_ =	task.clear_ibuf [dreg:s7], $0x2FFFF;
	_ =	strace $0x9FFFFFFF  }
0xc3: {  	(tm) =	ssettm $0x7FFFFFFF  }
tec
execute0_lowered:
.L_overlay_start_1:
0x0: {  	(tag) =	ssettag $0x1  }
0x1: {  	s6 =	rddreg [dreg:$0x0]  }
0x2: {  	s1 =	rddreg [dreg:$0x1];
	s2 =	stileid.u32  }
0x3: {  	s0 =	srdreg.scid;
	s8 =	smul.u32 $0x4F0, s2  }
0x4: {  	s3 =	rddreg [dreg:$0x2];
	s4 =	simm.s32 $0x0;
	s10 =	smul.u32 $0x9E00, s2  }
0x5: {  	s5 =	sand.u32 $0x1, s0;
	s0 =	rddreg [dreg:$0x3];
	s31 =	smul.u32 $0x280, s2  }
0x6: {  	s14 =	simm.s32 $0x0;
	[smem:$0x7FF] =	sst s4;
	s7 =	smul.u32 $0x2800, s5  }
0x7: {  	s13 =	sshll.u32 s2, $0x6;
	s9 =	smul.u32 $0x4F00, s5;
	s28 =	ssub.s32 $0x2, s5  }
0x8: {  	_ =	strace $0x80000047;
	s5 =	sadd.s32 $0x7200, s6;
	s29 =	sshrl.u32 s28, $0x1  }
0x9: {  	s30 =	sshrl.u32 s10, $0x2;
	s7 =	sadd.s32 s7, s6;
	s8 =	sadd.s32 s8, s9  }
0xa: {  	s12 =	sadd.s32 s30, s3;
	s9 =	simm.s32 $0x1;
	s6 =	sadd.s32 s8, s6  }
0xb: {  	s8 =	ssub.s32 s28, s29;
	s11 =	sadd.s32 $0x2200, s7;
	s12 =	sshrl.u32 s12, $0x3  }
0xc: {  	s6 =	sadd.s32 $0x7800, s6;
	s7 =	smax.u32 s8, $0x1;
	s8 =	simm.s32 $0x1400  }
0xd: {  	s10 =	sadd.s32 s31, s11;
	s11 =	sor.u32 $0x1C01, s13;
	s13 =	simm.s32 $0x80  }
.LBB2_1:
0xe: {  	[tilespmem:s8], [sflag:$0x1] =	stream.linear.gather [hbm4b:s1+s4], $0x800, $0x38;
	[tilespmem:$0x4380] =	vst v63  }
0xf: {  	_ =	swait.ge [sflag:s9], $0x800  }
0x10: {  	[sflag:s9] =	ssyncset.done $0x0  }
0x11: {  	[sflag:s9] =	ssyncadd.s32 $0xFFFFF800  }
0x12: {  	[tilespmem:s4], [sflag:$0x1] =	stream.linear.gather [hbm4b:s10+s4], $0x1400, $0x38;
	[tilespmem:$0x4380] =	vst v63  }
0x13: {  	_ =	swait.ge [sflag:s9], $0x1400  }
0x14: {  	[sflag:s9] =	ssyncset.done $0x0  }
0x15: {  	[sflag:s9] =	ssyncadd.s32 $0xFFFFEC00  }
0x16: {  	[spmem:s12], [sflag:s11] =	dma.local [hbm:s5], $0x4F0  }
0x17: {  	_ =	swait.ge [sflag:s9], $0x4F0  }
0x18: {  	[sflag:s9] =	ssyncset.done $0x0  }
0x19: {  	[sflag:s9] =	ssyncadd.s32 $0xFFFFFB10  }
0x1a: {  	s15 =	simm.s32 $0x0;
	[bflag:$0x0] =	sbarrier.arrive $0xFFFF  }
0x1b: {  	[spmem:s3] =	stream.indirect.scatter.add.f32 [tilespmem:s8], [sflag:$0x1], $0x10, s15, s13, $0xb8;
	[tilespmem:$0x4380] =	vst v63  }
0x1c: {  	_ =	swait.ge [sflag:s9], $0x800  }
0x1d: {  	s15 =	simm.s32 $0x200;
	[sflag:s9] =	ssyncset.done $0x0  }
.LBB2_2:
0x1e: {  	s16 =	sshra.s32 s15, $0x2;
	[sflag:s9] =	ssyncadd.s32 $0xFFFFF800;
	p0 =	sne.s32 s15, $0x4E00  }
0x1f: {  	[spmem:s3] =	stream.indirect.scatter.add.f32 [tilespmem:s8], [sflag:$0x1], $0x10, s16, s13, $0xb8;
	[tilespmem:$0x4380] =	vst v63  }
.Ltmp0:
0x20: {  	_ = 	snop;
	(pc) =	sbr.rel @p0 .LBB2_2-.Ltmp0, $4  }
0x21: {  	_ = 	snop  }
0x22: {  	s15 =	sadd.s32 $0x200, s15  }
0x23: {  	_ =	swait.ge [sflag:s9], $0x800  }
0x24: {  	[sflag:s9] =	ssyncset.done $0x0  }
0x25: {  	s14 =	sadd.s32 $0x1, s14  }
0x26: {  	[sflag:s9] =	ssyncadd.s32 $0xFFFFF800;
	p0 =	sne.s32 s14, s7  }
.Ltmp1:
0x27: {  	[bflag:$0x0] =	sbarrier.arrive $0xFFFF;
	(pc) =	sbr.rel @p0 .LBB2_1-.Ltmp1, $4  }
0x28: {  	[hbm:s6], [sflag:s11] =	dma.local [spmem:s12], $0x4F0  }
0x29: {  	_ =	swait.ge [sflag:s9], $0x4F0  }
0x2a: {  	[sflag:s9] =	ssyncset.done $0x0  }
0x2b: {  	[sflag:s9] =	ssyncadd.s32 $0xFFFFFB10  }
0x2c: {  	_ =	sfence.sel $0x180000  }
0x2d: {  	[bflag:$0x0] =	sbarrier.arrive $0xFFFF  }
0x2e: {  	p0 =	sne.s32 s2, $0x0;
	_ =	strace $0x90000047  }
0x2f: {  	s0 =	sadd.s32 @!p0 $0x100000, s0;
	[bflag:$0x2] =	sbarrier.arrive $0xFFFF  }
0x30: {  	[sflag:s0] =	ssyncadd.tile.s32 @!p0 $0x1;
	_ =	shalt  }
.Lfunc_end2:
_tile_overlayer_lowered:
.L_overlay_start_2:
0x31: {  	(tag) =	ssettag $0x2  }
0x32: {  	s0 =	rddreg [dreg:$0x0];
	s2 =	stileid.u32  }
0x33: {  	s1 =	rddreg [dreg:$0x1];
	p0 =	sne.s32 s2, $0x0  }
0x34: {  	s3 =	rddreg [dreg:$0x2];
	[bflag:$0x3] =	sbarrier.arrive $0xFFFF;
	s2 =	simm.s32 @!p0 $0x1C01  }
0x35: {  	[timem:s3], [sflag:s2] =	dma.local @!p0 [hbm:s0], s1  }
0x36: {  	s0 =	simm.s32 @!p0 $0x1  }
0x37: {  	_ =	swait.ge @!p0 [sflag:s0], s1  }
0x38: {  	s1 =	ssub.s32 @!p0 $0x0, s1;
	[sflag:s0] =	ssyncset.done @!p0 $0x0  }
0x39: {  	[sflag:s0] =	ssyncadd.s32 @!p0 s1  }
0x3a: {  	[bflag:$0x3] =	sbarrier.arrive $0xFFFF  }
0x3b: {  	_ =	shalt  }

</sc_bundles>
